<compile_context>
chip_gen: v7x
topology: tpu7x:2x2x1
jax: 0.10.2.dev20260603
libtpu: 0.0.44.dev20260713+nightly
codegen_flags: <defaults>
</compile_context>

<pallas_src>
import jax
import jax.numpy as jnp
from jax import lax
from jax.experimental import pallas as pl
from jax.experimental.pallas import tpu as pltpu
from jax.experimental.pallas import tpu_sc as plsc

LEFT_RANK = 16
MODE_SIZE = 100000
RIGHT_RANK = 16
BATCH = 16384

NUM_CORES = 2
NUM_SUBCORES = 16
L_PER_CORE = LEFT_RANK // NUM_CORES
LANES = 16
BLK = 4096
UNROLL = 16


STAGE_CHUNKS = [(0, MODE_SIZE)]


def _gather_kernel(ct_hbm, idx_hbm, out_hbm, idx_v, row_v, blk0_v, blk1_v,
                   sem, ssem0, ssem1):
    c = lax.axis_index("c")
    s = lax.axis_index("s")
    blks = (blk0_v, blk1_v)
    ssems = (ssem0, ssem1)

    pltpu.sync_copy(idx_hbm, idx_v)

    @pl.loop(0, L_PER_CORE)
    def _(k):
        l = c * L_PER_CORE + k

        stage = [
            pltpu.async_copy(
                ct_hbm.at[l, s, pl.ds(off, n)],
                row_v.at[pl.ds(off, n)],
                sem,
            )
            for off, n in STAGE_CHUNKS
        ]
        for cp in stage:
            cp.wait()

        for j in range(BATCH // BLK):
            par = j % 2
            blk_v = blks[par]

            def drain():
                pltpu.make_async_copy(
                    blk_v, out_hbm.at[l, s, pl.ds(j * BLK, BLK)],
                    ssems[par]).wait()

            if j >= 2:
                drain()
            else:
                @pl.when(k > 0)
                def _():
                    drain()

            @pl.loop(0, BLK // LANES, step=UNROLL)
            def _(i):
                for u in range(UNROLL):
                    base = j * BLK + (i + u) * LANES
                    iv = idx_v[pl.ds(base, LANES)]
                    blk_v[pl.ds((i + u) * LANES, LANES)] = plsc.load_gather(
                        row_v, [iv])

            pltpu.async_copy(blk_v, out_hbm.at[l, s, pl.ds(j * BLK, BLK)],
                             ssems[par])

    for par in range(2):
        pltpu.make_async_copy(blks[par], out_hbm.at[0, s, pl.ds(0, BLK)],
                              ssems[par]).wait()


@jax.jit
def kernel(mode_indices, core):
    idx = mode_indices.astype(jnp.int32)
    ct = jnp.transpose(core, (0, 2, 1))

    mesh = plsc.VectorSubcoreMesh(core_axis_name="c", subcore_axis_name="s")
    run = pl.kernel(
        _gather_kernel,
        out_type=jax.ShapeDtypeStruct((LEFT_RANK, RIGHT_RANK, BATCH),
                                      jnp.float32),
        mesh=mesh,
        scratch_types=[
            pltpu.VMEM((BATCH,), jnp.int32),
            pltpu.VMEM((MODE_SIZE,), jnp.float32),
            pltpu.VMEM((BLK,), jnp.float32),
            pltpu.VMEM((BLK,), jnp.float32),
            pltpu.SemaphoreType.DMA,
            pltpu.SemaphoreType.DMA,
            pltpu.SemaphoreType.DMA,
        ],
        compiler_params=pltpu.CompilerParams(needs_layout_passes=False),
    )
    out_t = run(ct, idx)
    return jnp.transpose(out_t, (0, 2, 1))

# --- scband reference (transcript-rebuilt; emitter-appended) ---
"""Pipeline reference for scband-riemannian-tensor-core-28518582845671 (READ-ONLY COPY).

The authoritative reference and input builder live on the scoring server;
editing this copy changes nothing except your own understanding.
"""

import jax, jax.numpy as jnp
import numpy as np
import math

LEFT_RANK = 16
MODE_SIZE = 100000
RIGHT_RANK = 16
BATCH = 16384

def setup_inputs(seed: int = 0) -> dict:
    key = jax.random.key(seed)
    k1, k2 = jax.random.split(key)
    mode_indices = jax.random.randint(k1, (BATCH,), 0, MODE_SIZE, dtype=jnp.int64 if jax.config.jax_enable_x64 else jnp.int32)
    scale = 1.0 / math.sqrt(LEFT_RANK * MODE_SIZE * RIGHT_RANK)
    core = jax.random.normal(k2, (LEFT_RANK, MODE_SIZE, RIGHT_RANK), dtype=jnp.float32) * scale
    return {"mode_indices": mode_indices, "core": core}

def reference(mode_indices, core):
    # Faithful translation of: return self.core[:, mode_indices, :]
    # gather along mode axis (axis=1)
    return jnp.take(core, mode_indices, axis=1)

if __name__ == "__main__":
    import jax
    _d = setup_inputs()
    print(jax.jit(kernel)(*tuple(_d.values())))

</pallas_src>

<mosaic_0001>
#map = affine_map<(d0, d1) -> (0, 0, 0)>
#map1 = affine_map<(d0, d1) -> (0)>
module attributes {stable_mosaic.version = 14 : i64} {
  func.func @_gather_kernel(%arg0: i32, %arg1: i32, %arg2: memref<16x16x100000xf32, #tpu.memory_space<hbm>>, %arg3: memref<16384xi32, #tpu.memory_space<hbm>>, %arg4: memref<16x16x16384xf32, #tpu.memory_space<hbm>>, %arg5: memref<16384xi32, #tpu.memory_space<vmem>>, %arg6: memref<100000xf32, #tpu.memory_space<vmem>>, %arg7: memref<4096xf32, #tpu.memory_space<vmem>>, %arg8: memref<4096xf32, #tpu.memory_space<vmem>>, %arg9: memref<!tpu.dma_semaphore, #tpu.memory_space<semaphore_mem>>, %arg10: memref<!tpu.dma_semaphore, #tpu.memory_space<semaphore_mem>>, %arg11: memref<!tpu.dma_semaphore, #tpu.memory_space<semaphore_mem>>) attributes {dimension_semantics = [#tpu.dimension_semantics<core_parallel>, #tpu.dimension_semantics<subcore_parallel>], iteration_bounds = array<i64: 2, 16>, scalar_prefetch = 0 : i64, scratch_operands = 7 : i64, tpu.core_type = #tpu.core_type<sc_vector_subcore>, window_params = [{transform_indices = #map}, {transform_indices = #map1}, {transform_indices = #map}]} {
    "tpu.region"() ({
      %run_scoped3A = tpu.sem_alloc : memref<!tpu.dma_semaphore, #tpu.memory_space<semaphore_mem>>
      tpu.enqueue_dma source(%arg3 : memref<16384xi32, #tpu.memory_space<hbm>>) target(%arg5 : memref<16384xi32, #tpu.memory_space<vmem>>) target_semaphore(%run_scoped3A : memref<!tpu.dma_semaphore, #tpu.memory_space<semaphore_mem>>)
      tpu.wait_dma2 semaphore(%run_scoped3A : memref<!tpu.dma_semaphore, #tpu.memory_space<semaphore_mem>>) src(%arg3 : memref<16384xi32, #tpu.memory_space<hbm>>) dst(%arg5 : memref<16384xi32, #tpu.memory_space<vmem>>)
      tpu.yield
    }) : () -> ()
    %scan3A = arith.constant 0 : i32
    %scan3A_0 = arith.constant 8 : i32
    %scan3A_1 = arith.addi %scan3A, %scan3A_0 : i32
    %scan3A_2 = arith.constant 1 : i32
    scf.for %scan3A_17 = %scan3A to %scan3A_1 step %scan3A_2  : i32 {
      %mul3A = arith.constant 1 : i32
      %mul3A_18 = arith.muli %scan3A_17, %mul3A : i32
      %add3A = arith.constant 0 : i32
      %add3A_19 = arith.addi %add3A, %mul3A_18 : i32
      %mul3A_20 = arith.constant 8 : i32
      %mul3A_21 = arith.muli %arg0, %mul3A_20 : i32
      %add3A_22 = arith.addi %mul3A_21, %add3A_19 : i32
      %dma_start3A = arith.constant 0 : i32
      %dma_start3A_23 = tpu.memref_slice %arg6[%dma_start3A] : memref<100000xf32, #tpu.memory_space<vmem>> -> memref<100000xf32, #tpu.memory_space<vmem>>
      %dma_start3A_24 = arith.constant 0 : i32
      %dma_start3A_25 = tpu.memref_slice %arg2[%add3A_22, %arg1, %dma_start3A_24] : memref<16x16x100000xf32, #tpu.memory_space<hbm>> -> memref<1x1x100000xf32, #tpu.memory_space<hbm>>
      %dma_start3A_26 = tpu.memref_squeeze %dma_start3A_25 : memref<1x1x100000xf32, #tpu.memory_space<hbm>> -> memref<100000xf32, #tpu.memory_space<hbm>>
      %dma_start3A_27 = arith.constant 0 : i32
      %dma_start3A_28 = tpu.memref_slice %arg6[%dma_start3A_27] : memref<100000xf32, #tpu.memory_space<vmem>> -> memref<100000xf32, #tpu.memory_space<vmem>>
      %dma_start3A_29 = arith.constant 0 : i32
      %dma_start3A_30 = tpu.memref_slice %arg2[%add3A_22, %arg1, %dma_start3A_29] : memref<16x16x100000xf32, #tpu.memory_space<hbm>> -> memref<1x1x100000xf32, #tpu.memory_space<hbm>>
      %dma_start3A_31 = tpu.memref_squeeze %dma_start3A_30 : memref<1x1x100000xf32, #tpu.memory_space<hbm>> -> memref<100000xf32, #tpu.memory_space<hbm>>
      tpu.enqueue_dma source(%dma_start3A_31 : memref<100000xf32, #tpu.memory_space<hbm>>) target(%dma_start3A_28 : memref<100000xf32, #tpu.memory_space<vmem>>) target_semaphore(%arg9 : memref<!tpu.dma_semaphore, #tpu.memory_space<semaphore_mem>>)
      %dma_wait3A_32 = arith.constant 0 : i32
      %dma_wait3A_33 = tpu.memref_slice %arg6[%dma_wait3A_32] : memref<100000xf32, #tpu.memory_space<vmem>> -> memref<100000xf32, #tpu.memory_space<vmem>>
      %dma_wait3A_34 = arith.constant 0 : i32
      %dma_wait3A_35 = tpu.memref_slice %arg2[%add3A_22, %arg1, %dma_wait3A_34] : memref<16x16x100000xf32, #tpu.memory_space<hbm>> -> memref<1x1x100000xf32, #tpu.memory_space<hbm>>
      %dma_wait3A_36 = tpu.memref_squeeze %dma_wait3A_35 : memref<1x1x100000xf32, #tpu.memory_space<hbm>> -> memref<100000xf32, #tpu.memory_space<hbm>>
      %dma_wait3A_37 = arith.constant 0 : i32
      %dma_wait3A_38 = tpu.memref_slice %arg6[%dma_wait3A_37] : memref<100000xf32, #tpu.memory_space<vmem>> -> memref<100000xf32, #tpu.memory_space<vmem>>
      %dma_wait3A_39 = arith.constant 0 : i32
      %dma_wait3A_40 = tpu.memref_slice %arg2[%add3A_22, %arg1, %dma_wait3A_39] : memref<16x16x100000xf32, #tpu.memory_space<hbm>> -> memref<1x1x100000xf32, #tpu.memory_space<hbm>>
      %dma_wait3A_41 = tpu.memref_squeeze %dma_wait3A_40 : memref<1x1x100000xf32, #tpu.memory_space<hbm>> -> memref<100000xf32, #tpu.memory_space<hbm>>
      tpu.wait_dma2 semaphore(%arg9 : memref<!tpu.dma_semaphore, #tpu.memory_space<semaphore_mem>>) src(%dma_wait3A_41 : memref<100000xf32, #tpu.memory_space<hbm>>) dst(%dma_wait3A_38 : memref<100000xf32, #tpu.memory_space<vmem>>)
      %gt3A = arith.constant 0 : i32
      %gt3A_42 = arith.cmpi sgt, %add3A_19, %gt3A : i32
      %convert_element_type3A = arith.extui %gt3A_42 : i1 to i32
      %cond3A = arith.constant 0 : i32
      %cond3A_43 = arith.cmpi ne, %convert_element_type3A, %cond3A : i32
      scf.if %cond3A_43 {
        %dma_wait3A_105 = arith.constant 0 : i32
        %dma_wait3A_106 = tpu.memref_slice %arg4[%add3A_22, %arg1, %dma_wait3A_105] : memref<16x16x16384xf32, #tpu.memory_space<hbm>> -> memref<1x1x4096xf32, #tpu.memory_space<hbm>>
        %dma_wait3A_107 = tpu.memref_squeeze %dma_wait3A_106 : memref<1x1x4096xf32, #tpu.memory_space<hbm>> -> memref<4096xf32, #tpu.memory_space<hbm>>
        %dma_wait3A_108 = arith.constant 0 : i32
        %dma_wait3A_109 = tpu.memref_slice %arg4[%add3A_22, %arg1, %dma_wait3A_108] : memref<16x16x16384xf32, #tpu.memory_space<hbm>> -> memref<1x1x4096xf32, #tpu.memory_space<hbm>>
        %dma_wait3A_110 = tpu.memref_squeeze %dma_wait3A_109 : memref<1x1x4096xf32, #tpu.memory_space<hbm>> -> memref<4096xf32, #tpu.memory_space<hbm>>
        tpu.wait_dma2 semaphore(%arg10 : memref<!tpu.dma_semaphore, #tpu.memory_space<semaphore_mem>>) src(%arg7 : memref<4096xf32, #tpu.memory_space<vmem>>) dst(%dma_wait3A_110 : memref<4096xf32, #tpu.memory_space<hbm>>)
      } else {
      }
      %scan3A_44 = arith.constant 0 : i32
      %scan3A_45 = arith.constant 16 : i32
      %scan3A_46 = arith.addi %scan3A_44, %scan3A_45 : i32
      %scan3A_47 = arith.constant 1 : i32
      scf.for %scan3A_105 = %scan3A_44 to %scan3A_46 step %scan3A_47  : i32 {
        %mul3A_106 = arith.constant 16 : i32
        %mul3A_107 = arith.muli %scan3A_105, %mul3A_106 : i32
        %add3A_108 = arith.constant 0 : i32
        %add3A_109 = arith.addi %add3A_108, %mul3A_107 : i32
        %add3A_110 = arith.constant 0 : i32
        %add3A_111 = arith.addi %add3A_109, %add3A_110 : i32
        %mul3A_112 = arith.constant 16 : i32
        %mul3A_113 = arith.muli %add3A_111, %mul3A_112 : i32
        %add3A_114 = arith.constant 0 : i32
        %add3A_115 = arith.addi %add3A_114, %mul3A_113 : i32
        %get3A = arith.index_cast %add3A_115 : i32 to index
        %get3A_116 = tpu.vector_load %arg5[%get3A] {strides = array<i32>} : memref<16384xi32, #tpu.memory_space<vmem>>, vector<16xi32>,
        %gather3A = tpu.vector_load_idx %arg6[%get3A_116] : memref<100000xf32, #tpu.memory_space<vmem>>[vector<16xi32>], vector<16xf32>,
        %add3A_117 = arith.constant 0 : i32
        %add3A_118 = arith.addi %add3A_109, %add3A_117 : i32
        %mul3A_119 = arith.constant 16 : i32
        %mul3A_120 = arith.muli %add3A_118, %mul3A_119 : i32
        %swap3A = arith.index_cast %mul3A_120 : i32 to index
        %swap3A_121 = tpu.vector_load %arg7[%swap3A] {strides = array<i32>} : memref<4096xf32, #tpu.memory_space<vmem>>, vector<16xf32>,
        tpu.vector_store %arg7[%swap3A], %gather3A {strides = array<i32>} : memref<4096xf32, #tpu.memory_space<vmem>>, vector<16xf32>,
        %add3A_122 = arith.constant 1 : i32
        %add3A_123 = arith.addi %add3A_109, %add3A_122 : i32
        %mul3A_124 = arith.constant 16 : i32
        %mul3A_125 = arith.muli %add3A_123, %mul3A_124 : i32
        %add3A_126 = arith.constant 0 : i32
        %add3A_127 = arith.addi %add3A_126, %mul3A_125 : i32
        %get3A_128 = arith.index_cast %add3A_127 : i32 to index
        %get3A_129 = tpu.vector_load %arg5[%get3A_128] {strides = array<i32>} : memref<16384xi32, #tpu.memory_space<vmem>>, vector<16xi32>,
        %gather3A_130 = tpu.vector_load_idx %arg6[%get3A_129] : memref<100000xf32, #tpu.memory_space<vmem>>[vector<16xi32>], vector<16xf32>,
        %add3A_131 = arith.constant 1 : i32
        %add3A_132 = arith.addi %add3A_109, %add3A_131 : i32
        %mul3A_133 = arith.constant 16 : i32
        %mul3A_134 = arith.muli %add3A_132, %mul3A_133 : i32
        %swap3A_135 = arith.index_cast %mul3A_134 : i32 to index
        %swap3A_136 = tpu.vector_load %arg7[%swap3A_135] {strides = array<i32>} : memref<4096xf32, #tpu.memory_space<vmem>>, vector<16xf32>,
        tpu.vector_store %arg7[%swap3A_135], %gather3A_130 {strides = array<i32>} : memref<4096xf32, #tpu.memory_space<vmem>>, vector<16xf32>,
        %add3A_137 = arith.constant 2 : i32
        %add3A_138 = arith.addi %add3A_109, %add3A_137 : i32
        %mul3A_139 = arith.constant 16 : i32
        %mul3A_140 = arith.muli %add3A_138, %mul3A_139 : i32
        %add3A_141 = arith.constant 0 : i32
        %add3A_142 = arith.addi %add3A_141, %mul3A_140 : i32
        %get3A_143 = arith.index_cast %add3A_142 : i32 to index
        %get3A_144 = tpu.vector_load %arg5[%get3A_143] {strides = array<i32>} : memref<16384xi32, #tpu.memory_space<vmem>>, vector<16xi32>,
        %gather3A_145 = tpu.vector_load_idx %arg6[%get3A_144] : memref<100000xf32, #tpu.memory_space<vmem>>[vector<16xi32>], vector<16xf32>,
        %add3A_146 = arith.constant 2 : i32
        %add3A_147 = arith.addi %add3A_109, %add3A_146 : i32
        %mul3A_148 = arith.constant 16 : i32
        %mul3A_149 = arith.muli %add3A_147, %mul3A_148 : i32
        %swap3A_150 = arith.index_cast %mul3A_149 : i32 to index
        %swap3A_151 = tpu.vector_load %arg7[%swap3A_150] {strides = array<i32>} : memref<4096xf32, #tpu.memory_space<vmem>>, vector<16xf32>,
        tpu.vector_store %arg7[%swap3A_150], %gather3A_145 {strides = array<i32>} : memref<4096xf32, #tpu.memory_space<vmem>>, vector<16xf32>,
        %add3A_152 = arith.constant 3 : i32
        %add3A_153 = arith.addi %add3A_109, %add3A_152 : i32
        %mul3A_154 = arith.constant 16 : i32
        %mul3A_155 = arith.muli %add3A_153, %mul3A_154 : i32
        %add3A_156 = arith.constant 0 : i32
        %add3A_157 = arith.addi %add3A_156, %mul3A_155 : i32
        %get3A_158 = arith.index_cast %add3A_157 : i32 to index
        %get3A_159 = tpu.vector_load %arg5[%get3A_158] {strides = array<i32>} : memref<16384xi32, #tpu.memory_space<vmem>>, vector<16xi32>,
        %gather3A_160 = tpu.vector_load_idx %arg6[%get3A_159] : memref<100000xf32, #tpu.memory_space<vmem>>[vector<16xi32>], vector<16xf32>,
        %add3A_161 = arith.constant 3 : i32
        %add3A_162 = arith.addi %add3A_109, %add3A_161 : i32
        %mul3A_163 = arith.constant 16 : i32
        %mul3A_164 = arith.muli %add3A_162, %mul3A_163 : i32
        %swap3A_165 = arith.index_cast %mul3A_164 : i32 to index
        %swap3A_166 = tpu.vector_load %arg7[%swap3A_165] {strides = array<i32>} : memref<4096xf32, #tpu.memory_space<vmem>>, vector<16xf32>,
        tpu.vector_store %arg7[%swap3A_165], %gather3A_160 {strides = array<i32>} : memref<4096xf32, #tpu.memory_space<vmem>>, vector<16xf32>,
        %add3A_167 = arith.constant 4 : i32
        %add3A_168 = arith.addi %add3A_109, %add3A_167 : i32
        %mul3A_169 = arith.constant 16 : i32
        %mul3A_170 = arith.muli %add3A_168, %mul3A_169 : i32
        %add3A_171 = arith.constant 0 : i32
        %add3A_172 = arith.addi %add3A_171, %mul3A_170 : i32
        %get3A_173 = arith.index_cast %add3A_172 : i32 to index
        %get3A_174 = tpu.vector_load %arg5[%get3A_173] {strides = array<i32>} : memref<16384xi32, #tpu.memory_space<vmem>>, vector<16xi32>,
        %gather3A_175 = tpu.vector_load_idx %arg6[%get3A_174] : memref<100000xf32, #tpu.memory_space<vmem>>[vector<16xi32>], vector<16xf32>,
        %add3A_176 = arith.constant 4 : i32
        %add3A_177 = arith.addi %add3A_109, %add3A_176 : i32
        %mul3A_178 = arith.constant 16 : i32
        %mul3A_179 = arith.muli %add3A_177, %mul3A_178 : i32
        %swap3A_180 = arith.index_cast %mul3A_179 : i32 to index
        %swap3A_181 = tpu.vector_load %arg7[%swap3A_180] {strides = array<i32>} : memref<4096xf32, #tpu.memory_space<vmem>>, vector<16xf32>,
        tpu.vector_store %arg7[%swap3A_180], %gather3A_175 {strides = array<i32>} : memref<4096xf32, #tpu.memory_space<vmem>>, vector<16xf32>,
        %add3A_182 = arith.constant 5 : i32
        %add3A_183 = arith.addi %add3A_109, %add3A_182 : i32
        %mul3A_184 = arith.constant 16 : i32
        %mul3A_185 = arith.muli %add3A_183, %mul3A_184 : i32
        %add3A_186 = arith.constant 0 : i32
        %add3A_187 = arith.addi %add3A_186, %mul3A_185 : i32
        %get3A_188 = arith.index_cast %add3A_187 : i32 to index
        %get3A_189 = tpu.vector_load %arg5[%get3A_188] {strides = array<i32>} : memref<16384xi32, #tpu.memory_space<vmem>>, vector<16xi32>,
        %gather3A_190 = tpu.vector_load_idx %arg6[%get3A_189] : memref<100000xf32, #tpu.memory_space<vmem>>[vector<16xi32>], vector<16xf32>,
        %add3A_191 = arith.constant 5 : i32
        %add3A_192 = arith.addi %add3A_109, %add3A_191 : i32
        %mul3A_193 = arith.constant 16 : i32
        %mul3A_194 = arith.muli %add3A_192, %mul3A_193 : i32
        %swap3A_195 = arith.index_cast %mul3A_194 : i32 to index
        %swap3A_196 = tpu.vector_load %arg7[%swap3A_195] {strides = array<i32>} : memref<4096xf32, #tpu.memory_space<vmem>>, vector<16xf32>,
        tpu.vector_store %arg7[%swap3A_195], %gather3A_190 {strides = array<i32>} : memref<4096xf32, #tpu.memory_space<vmem>>, vector<16xf32>,
        %add3A_197 = arith.constant 6 : i32
        %add3A_198 = arith.addi %add3A_109, %add3A_197 : i32
        %mul3A_199 = arith.constant 16 : i32
        %mul3A_200 = arith.muli %add3A_198, %mul3A_199 : i32
        %add3A_201 = arith.constant 0 : i32
        %add3A_202 = arith.addi %add3A_201, %mul3A_200 : i32
        %get3A_203 = arith.index_cast %add3A_202 : i32 to index
        %get3A_204 = tpu.vector_load %arg5[%get3A_203] {strides = array<i32>} : memref<16384xi32, #tpu.memory_space<vmem>>, vector<16xi32>,
        %gather3A_205 = tpu.vector_load_idx %arg6[%get3A_204] : memref<100000xf32, #tpu.memory_space<vmem>>[vector<16xi32>], vector<16xf32>,
        %add3A_206 = arith.constant 6 : i32
        %add3A_207 = arith.addi %add3A_109, %add3A_206 : i32
        %mul3A_208 = arith.constant 16 : i32
        %mul3A_209 = arith.muli %add3A_207, %mul3A_208 : i32
        %swap3A_210 = arith.index_cast %mul3A_209 : i32 to index
        %swap3A_211 = tpu.vector_load %arg7[%swap3A_210] {strides = array<i32>} : memref<4096xf32, #tpu.memory_space<vmem>>, vector<16xf32>,
        tpu.vector_store %arg7[%swap3A_210], %gather3A_205 {strides = array<i32>} : memref<4096xf32, #tpu.memory_space<vmem>>, vector<16xf32>,
        %add3A_212 = arith.constant 7 : i32
        %add3A_213 = arith.addi %add3A_109, %add3A_212 : i32
        %mul3A_214 = arith.constant 16 : i32
        %mul3A_215 = arith.muli %add3A_213, %mul3A_214 : i32
        %add3A_216 = arith.constant 0 : i32
        %add3A_217 = arith.addi %add3A_216, %mul3A_215 : i32
        %get3A_218 = arith.index_cast %add3A_217 : i32 to index
        %get3A_219 = tpu.vector_load %arg5[%get3A_218] {strides = array<i32>} : memref<16384xi32, #tpu.memory_space<vmem>>, vector<16xi32>,
        %gather3A_220 = tpu.vector_load_idx %arg6[%get3A_219] : memref<100000xf32, #tpu.memory_space<vmem>>[vector<16xi32>], vector<16xf32>,
        %add3A_221 = arith.constant 7 : i32
        %add3A_222 = arith.addi %add3A_109, %add3A_221 : i32
        %mul3A_223 = arith.constant 16 : i32
        %mul3A_224 = arith.muli %add3A_222, %mul3A_223 : i32
        %swap3A_225 = arith.index_cast %mul3A_224 : i32 to index
        %swap3A_226 = tpu.vector_load %arg7[%swap3A_225] {strides = array<i32>} : memref<4096xf32, #tpu.memory_space<vmem>>, vector<16xf32>,
        tpu.vector_store %arg7[%swap3A_225], %gather3A_220 {strides = array<i32>} : memref<4096xf32, #tpu.memory_space<vmem>>, vector<16xf32>,
        %add3A_227 = arith.constant 8 : i32
        %add3A_228 = arith.addi %add3A_109, %add3A_227 : i32
        %mul3A_229 = arith.constant 16 : i32
        %mul3A_230 = arith.muli %add3A_228, %mul3A_229 : i32
        %add3A_231 = arith.constant 0 : i32
        %add3A_232 = arith.addi %add3A_231, %mul3A_230 : i32
        %get3A_233 = arith.index_cast %add3A_232 : i32 to index
        %get3A_234 = tpu.vector_load %arg5[%get3A_233] {strides = array<i32>} : memref<16384xi32, #tpu.memory_space<vmem>>, vector<16xi32>,
        %gather3A_235 = tpu.vector_load_idx %arg6[%get3A_234] : memref<100000xf32, #tpu.memory_space<vmem>>[vector<16xi32>], vector<16xf32>,
        %add3A_236 = arith.constant 8 : i32
        %add3A_237 = arith.addi %add3A_109, %add3A_236 : i32
        %mul3A_238 = arith.constant 16 : i32
        %mul3A_239 = arith.muli %add3A_237, %mul3A_238 : i32
        %swap3A_240 = arith.index_cast %mul3A_239 : i32 to index
        %swap3A_241 = tpu.vector_load %arg7[%swap3A_240] {strides = array<i32>} : memref<4096xf32, #tpu.memory_space<vmem>>, vector<16xf32>,
        tpu.vector_store %arg7[%swap3A_240], %gather3A_235 {strides = array<i32>} : memref<4096xf32, #tpu.memory_space<vmem>>, vector<16xf32>,
        %add3A_242 = arith.constant 9 : i32
        %add3A_243 = arith.addi %add3A_109, %add3A_242 : i32
        %mul3A_244 = arith.constant 16 : i32
        %mul3A_245 = arith.muli %add3A_243, %mul3A_244 : i32
        %add3A_246 = arith.constant 0 : i32
        %add3A_247 = arith.addi %add3A_246, %mul3A_245 : i32
        %get3A_248 = arith.index_cast %add3A_247 : i32 to index
        %get3A_249 = tpu.vector_load %arg5[%get3A_248] {strides = array<i32>} : memref<16384xi32, #tpu.memory_space<vmem>>, vector<16xi32>,
        %gather3A_250 = tpu.vector_load_idx %arg6[%get3A_249] : memref<100000xf32, #tpu.memory_space<vmem>>[vector<16xi32>], vector<16xf32>,
        %add3A_251 = arith.constant 9 : i32
        %add3A_252 = arith.addi %add3A_109, %add3A_251 : i32
        %mul3A_253 = arith.constant 16 : i32
        %mul3A_254 = arith.muli %add3A_252, %mul3A_253 : i32
        %swap3A_255 = arith.index_cast %mul3A_254 : i32 to index
        %swap3A_256 = tpu.vector_load %arg7[%swap3A_255] {strides = array<i32>} : memref<4096xf32, #tpu.memory_space<vmem>>, vector<16xf32>,
        tpu.vector_store %arg7[%swap3A_255], %gather3A_250 {strides = array<i32>} : memref<4096xf32, #tpu.memory_space<vmem>>, vector<16xf32>,
        %add3A_257 = arith.constant 10 : i32
        %add3A_258 = arith.addi %add3A_109, %add3A_257 : i32
        %mul3A_259 = arith.constant 16 : i32
        %mul3A_260 = arith.muli %add3A_258, %mul3A_259 : i32
        %add3A_261 = arith.constant 0 : i32
        %add3A_262 = arith.addi %add3A_261, %mul3A_260 : i32
        %get3A_263 = arith.index_cast %add3A_262 : i32 to index
        %get3A_264 = tpu.vector_load %arg5[%get3A_263] {strides = array<i32>} : memref<16384xi32, #tpu.memory_space<vmem>>, vector<16xi32>,
        %gather3A_265 = tpu.vector_load_idx %arg6[%get3A_264] : memref<100000xf32, #tpu.memory_space<vmem>>[vector<16xi32>], vector<16xf32>,
        %add3A_266 = arith.constant 10 : i32
        %add3A_267 = arith.addi %add3A_109, %add3A_266 : i32
        %mul3A_268 = arith.constant 16 : i32
        %mul3A_269 = arith.muli %add3A_267, %mul3A_268 : i32
        %swap3A_270 = arith.index_cast %mul3A_269 : i32 to index
        %swap3A_271 = tpu.vector_load %arg7[%swap3A_270] {strides = array<i32>} : memref<4096xf32, #tpu.memory_space<vmem>>, vector<16xf32>,
        tpu.vector_store %arg7[%swap3A_270], %gather3A_265 {strides = array<i32>} : memref<4096xf32, #tpu.memory_space<vmem>>, vector<16xf32>,
        %add3A_272 = arith.constant 11 : i32
        %add3A_273 = arith.addi %add3A_109, %add3A_272 : i32
        %mul3A_274 = arith.constant 16 : i32
        %mul3A_275 = arith.muli %add3A_273, %mul3A_274 : i32
        %add3A_276 = arith.constant 0 : i32
        %add3A_277 = arith.addi %add3A_276, %mul3A_275 : i32
        %get3A_278 = arith.index_cast %add3A_277 : i32 to index
        %get3A_279 = tpu.vector_load %arg5[%get3A_278] {strides = array<i32>} : memref<16384xi32, #tpu.memory_space<vmem>>, vector<16xi32>,
        %gather3A_280 = tpu.vector_load_idx %arg6[%get3A_279] : memref<100000xf32, #tpu.memory_space<vmem>>[vector<16xi32>], vector<16xf32>,
        %add3A_281 = arith.constant 11 : i32
        %add3A_282 = arith.addi %add3A_109, %add3A_281 : i32
        %mul3A_283 = arith.constant 16 : i32
        %mul3A_284 = arith.muli %add3A_282, %mul3A_283 : i32
        %swap3A_285 = arith.index_cast %mul3A_284 : i32 to index
        %swap3A_286 = tpu.vector_load %arg7[%swap3A_285] {strides = array<i32>} : memref<4096xf32, #tpu.memory_space<vmem>>, vector<16xf32>,
        tpu.vector_store %arg7[%swap3A_285], %gather3A_280 {strides = array<i32>} : memref<4096xf32, #tpu.memory_space<vmem>>, vector<16xf32>,
        %add3A_287 = arith.constant 12 : i32
        %add3A_288 = arith.addi %add3A_109, %add3A_287 : i32
        %mul3A_289 = arith.constant 16 : i32
        %mul3A_290 = arith.muli %add3A_288, %mul3A_289 : i32
        %add3A_291 = arith.constant 0 : i32
        %add3A_292 = arith.addi %add3A_291, %mul3A_290 : i32
        %get3A_293 = arith.index_cast %add3A_292 : i32 to index
        %get3A_294 = tpu.vector_load %arg5[%get3A_293] {strides = array<i32>} : memref<16384xi32, #tpu.memory_space<vmem>>, vector<16xi32>,
        %gather3A_295 = tpu.vector_load_idx %arg6[%get3A_294] : memref<100000xf32, #tpu.memory_space<vmem>>[vector<16xi32>], vector<16xf32>,
        %add3A_296 = arith.constant 12 : i32
        %add3A_297 = arith.addi %add3A_109, %add3A_296 : i32
        %mul3A_298 = arith.constant 16 : i32
        %mul3A_299 = arith.muli %add3A_297, %mul3A_298 : i32
        %swap3A_300 = arith.index_cast %mul3A_299 : i32 to index
        %swap3A_301 = tpu.vector_load %arg7[%swap3A_300] {strides = array<i32>} : memref<4096xf32, #tpu.memory_space<vmem>>, vector<16xf32>,
        tpu.vector_store %arg7[%swap3A_300], %gather3A_295 {strides = array<i32>} : memref<4096xf32, #tpu.memory_space<vmem>>, vector<16xf32>,
        %add3A_302 = arith.constant 13 : i32
        %add3A_303 = arith.addi %add3A_109, %add3A_302 : i32
        %mul3A_304 = arith.constant 16 : i32
        %mul3A_305 = arith.muli %add3A_303, %mul3A_304 : i32
        %add3A_306 = arith.constant 0 : i32
        %add3A_307 = arith.addi %add3A_306, %mul3A_305 : i32
        %get3A_308 = arith.index_cast %add3A_307 : i32 to index
        %get3A_309 = tpu.vector_load %arg5[%get3A_308] {strides = array<i32>} : memref<16384xi32, #tpu.memory_space<vmem>>, vector<16xi32>,
        %gather3A_310 = tpu.vector_load_idx %arg6[%get3A_309] : memref<100000xf32, #tpu.memory_space<vmem>>[vector<16xi32>], vector<16xf32>,
        %add3A_311 = arith.constant 13 : i32
        %add3A_312 = arith.addi %add3A_109, %add3A_311 : i32
        %mul3A_313 = arith.constant 16 : i32
        %mul3A_314 = arith.muli %add3A_312, %mul3A_313 : i32
        %swap3A_315 = arith.index_cast %mul3A_314 : i32 to index
        %swap3A_316 = tpu.vector_load %arg7[%swap3A_315] {strides = array<i32>} : memref<4096xf32, #tpu.memory_space<vmem>>, vector<16xf32>,
        tpu.vector_store %arg7[%swap3A_315], %gather3A_310 {strides = array<i32>} : memref<4096xf32, #tpu.memory_space<vmem>>, vector<16xf32>,
        %add3A_317 = arith.constant 14 : i32
        %add3A_318 = arith.addi %add3A_109, %add3A_317 : i32
        %mul3A_319 = arith.constant 16 : i32
        %mul3A_320 = arith.muli %add3A_318, %mul3A_319 : i32
        %add3A_321 = arith.constant 0 : i32
        %add3A_322 = arith.addi %add3A_321, %mul3A_320 : i32
        %get3A_323 = arith.index_cast %add3A_322 : i32 to index
        %get3A_324 = tpu.vector_load %arg5[%get3A_323] {strides = array<i32>} : memref<16384xi32, #tpu.memory_space<vmem>>, vector<16xi32>,
        %gather3A_325 = tpu.vector_load_idx %arg6[%get3A_324] : memref<100000xf32, #tpu.memory_space<vmem>>[vector<16xi32>], vector<16xf32>,
        %add3A_326 = arith.constant 14 : i32
        %add3A_327 = arith.addi %add3A_109, %add3A_326 : i32
        %mul3A_328 = arith.constant 16 : i32
        %mul3A_329 = arith.muli %add3A_327, %mul3A_328 : i32
        %swap3A_330 = arith.index_cast %mul3A_329 : i32 to index
        %swap3A_331 = tpu.vector_load %arg7[%swap3A_330] {strides = array<i32>} : memref<4096xf32, #tpu.memory_space<vmem>>, vector<16xf32>,
        tpu.vector_store %arg7[%swap3A_330], %gather3A_325 {strides = array<i32>} : memref<4096xf32, #tpu.memory_space<vmem>>, vector<16xf32>,
        %add3A_332 = arith.constant 15 : i32
        %add3A_333 = arith.addi %add3A_109, %add3A_332 : i32
        %mul3A_334 = arith.constant 16 : i32
        %mul3A_335 = arith.muli %add3A_333, %mul3A_334 : i32
        %add3A_336 = arith.constant 0 : i32
        %add3A_337 = arith.addi %add3A_336, %mul3A_335 : i32
        %get3A_338 = arith.index_cast %add3A_337 : i32 to index
        %get3A_339 = tpu.vector_load %arg5[%get3A_338] {strides = array<i32>} : memref<16384xi32, #tpu.memory_space<vmem>>, vector<16xi32>,
        %gather3A_340 = tpu.vector_load_idx %arg6[%get3A_339] : memref<100000xf32, #tpu.memory_space<vmem>>[vector<16xi32>], vector<16xf32>,
        %add3A_341 = arith.constant 15 : i32
        %add3A_342 = arith.addi %add3A_109, %add3A_341 : i32
        %mul3A_343 = arith.constant 16 : i32
        %mul3A_344 = arith.muli %add3A_342, %mul3A_343 : i32
        %swap3A_345 = arith.index_cast %mul3A_344 : i32 to index
        %swap3A_346 = tpu.vector_load %arg7[%swap3A_345] {strides = array<i32>} : memref<4096xf32, #tpu.memory_space<vmem>>, vector<16xf32>,
        tpu.vector_store %arg7[%swap3A_345], %gather3A_340 {strides = array<i32>} : memref<4096xf32, #tpu.memory_space<vmem>>, vector<16xf32>,
      }
      %scan3A_48 = arith.constant 16 : i32
      %dma_start3A_49 = arith.constant 0 : i32
      %dma_start3A_50 = tpu.memref_slice %arg4[%add3A_22, %arg1, %dma_start3A_49] : memref<16x16x16384xf32, #tpu.memory_space<hbm>> -> memref<1x1x4096xf32, #tpu.memory_space<hbm>>
      %dma_start3A_51 = tpu.memref_squeeze %dma_start3A_50 : memref<1x1x4096xf32, #tpu.memory_space<hbm>> -> memref<4096xf32, #tpu.memory_space<hbm>>
      %dma_start3A_52 = arith.constant 0 : i32
      %dma_start3A_53 = tpu.memref_slice %arg4[%add3A_22, %arg1, %dma_start3A_52] : memref<16x16x16384xf32, #tpu.memory_space<hbm>> -> memref<1x1x4096xf32, #tpu.memory_space<hbm>>
      %dma_start3A_54 = tpu.memref_squeeze %dma_start3A_53 : memref<1x1x4096xf32, #tpu.memory_space<hbm>> -> memref<4096xf32, #tpu.memory_space<hbm>>
      tpu.enqueue_dma source(%arg7 : memref<4096xf32, #tpu.memory_space<vmem>>) target(%dma_start3A_54 : memref<4096xf32, #tpu.memory_space<hbm>>) target_semaphore(%arg10 : memref<!tpu.dma_semaphore, #tpu.memory_space<semaphore_mem>>)
      %gt3A_55 = arith.constant 0 : i32
      %gt3A_56 = arith.cmpi sgt, %add3A_19, %gt3A_55 : i32
      %convert_element_type3A_57 = arith.extui %gt3A_56 : i1 to i32
      %cond3A_58 = arith.constant 0 : i32
      %cond3A_59 = arith.cmpi ne, %convert_element_type3A_57, %cond3A_58 : i32
      scf.if %cond3A_59 {
        %dma_wait3A_105 = arith.constant 4096 : i32
        %dma_wait3A_106 = tpu.memref_slice %arg4[%add3A_22, %arg1, %dma_wait3A_105] : memref<16x16x16384xf32, #tpu.memory_space<hbm>> -> memref<1x1x4096xf32, #tpu.memory_space<hbm>>
        %dma_wait3A_107 = tpu.memref_squeeze %dma_wait3A_106 : memref<1x1x4096xf32, #tpu.memory_space<hbm>> -> memref<4096xf32, #tpu.memory_space<hbm>>
        %dma_wait3A_108 = arith.constant 4096 : i32
        %dma_wait3A_109 = tpu.memref_slice %arg4[%add3A_22, %arg1, %dma_wait3A_108] : memref<16x16x16384xf32, #tpu.memory_space<hbm>> -> memref<1x1x4096xf32, #tpu.memory_space<hbm>>
        %dma_wait3A_110 = tpu.memref_squeeze %dma_wait3A_109 : memref<1x1x4096xf32, #tpu.memory_space<hbm>> -> memref<4096xf32, #tpu.memory_space<hbm>>
        tpu.wait_dma2 semaphore(%arg11 : memref<!tpu.dma_semaphore, #tpu.memory_space<semaphore_mem>>) src(%arg8 : memref<4096xf32, #tpu.memory_space<vmem>>) dst(%dma_wait3A_110 : memref<4096xf32, #tpu.memory_space<hbm>>)
      } else {
      }
      %scan3A_60 = arith.constant 0 : i32
      %scan3A_61 = arith.constant 16 : i32
      %scan3A_62 = arith.addi %scan3A_60, %scan3A_61 : i32
      %scan3A_63 = arith.constant 1 : i32
      scf.for %scan3A_105 = %scan3A_60 to %scan3A_62 step %scan3A_63  : i32 {
        %mul3A_106 = arith.constant 16 : i32
        %mul3A_107 = arith.muli %scan3A_105, %mul3A_106 : i32
        %add3A_108 = arith.constant 0 : i32
        %add3A_109 = arith.addi %add3A_108, %mul3A_107 : i32
        %add3A_110 = arith.constant 0 : i32
        %add3A_111 = arith.addi %add3A_109, %add3A_110 : i32
        %mul3A_112 = arith.constant 16 : i32
        %mul3A_113 = arith.muli %add3A_111, %mul3A_112 : i32
        %add3A_114 = arith.constant 4096 : i32
        %add3A_115 = arith.addi %add3A_114, %mul3A_113 : i32
        %get3A = arith.index_cast %add3A_115 : i32 to index
        %get3A_116 = tpu.vector_load %arg5[%get3A] {strides = array<i32>} : memref<16384xi32, #tpu.memory_space<vmem>>, vector<16xi32>,
        %gather3A = tpu.vector_load_idx %arg6[%get3A_116] : memref<100000xf32, #tpu.memory_space<vmem>>[vector<16xi32>], vector<16xf32>,
        %add3A_117 = arith.constant 0 : i32
        %add3A_118 = arith.addi %add3A_109, %add3A_117 : i32
        %mul3A_119 = arith.constant 16 : i32
        %mul3A_120 = arith.muli %add3A_118, %mul3A_119 : i32
        %swap3A = arith.index_cast %mul3A_120 : i32 to index
        %swap3A_121 = tpu.vector_load %arg8[%swap3A] {strides = array<i32>} : memref<4096xf32, #tpu.memory_space<vmem>>, vector<16xf32>,
        tpu.vector_store %arg8[%swap3A], %gather3A {strides = array<i32>} : memref<4096xf32, #tpu.memory_space<vmem>>, vector<16xf32>,
        %add3A_122 = arith.constant 1 : i32
        %add3A_123 = arith.addi %add3A_109, %add3A_122 : i32
        %mul3A_124 = arith.constant 16 : i32
        %mul3A_125 = arith.muli %add3A_123, %mul3A_124 : i32
        %add3A_126 = arith.constant 4096 : i32
        %add3A_127 = arith.addi %add3A_126, %mul3A_125 : i32
        %get3A_128 = arith.index_cast %add3A_127 : i32 to index
        %get3A_129 = tpu.vector_load %arg5[%get3A_128] {strides = array<i32>} : memref<16384xi32, #tpu.memory_space<vmem>>, vector<16xi32>,
        %gather3A_130 = tpu.vector_load_idx %arg6[%get3A_129] : memref<100000xf32, #tpu.memory_space<vmem>>[vector<16xi32>], vector<16xf32>,
        %add3A_131 = arith.constant 1 : i32
        %add3A_132 = arith.addi %add3A_109, %add3A_131 : i32
        %mul3A_133 = arith.constant 16 : i32
        %mul3A_134 = arith.muli %add3A_132, %mul3A_133 : i32
        %swap3A_135 = arith.index_cast %mul3A_134 : i32 to index
        %swap3A_136 = tpu.vector_load %arg8[%swap3A_135] {strides = array<i32>} : memref<4096xf32, #tpu.memory_space<vmem>>, vector<16xf32>,
        tpu.vector_store %arg8[%swap3A_135], %gather3A_130 {strides = array<i32>} : memref<4096xf32, #tpu.memory_space<vmem>>, vector<16xf32>,
        %add3A_137 = arith.constant 2 : i32
        %add3A_138 = arith.addi %add3A_109, %add3A_137 : i32
        %mul3A_139 = arith.constant 16 : i32
        %mul3A_140 = arith.muli %add3A_138, %mul3A_139 : i32
        %add3A_141 = arith.constant 4096 : i32
        %add3A_142 = arith.addi %add3A_141, %mul3A_140 : i32
        %get3A_143 = arith.index_cast %add3A_142 : i32 to index
        %get3A_144 = tpu.vector_load %arg5[%get3A_143] {strides = array<i32>} : memref<16384xi32, #tpu.memory_space<vmem>>, vector<16xi32>,
        %gather3A_145 = tpu.vector_load_idx %arg6[%get3A_144] : memref<100000xf32, #tpu.memory_space<vmem>>[vector<16xi32>], vector<16xf32>,
        %add3A_146 = arith.constant 2 : i32
        %add3A_147 = arith.addi %add3A_109, %add3A_146 : i32
        %mul3A_148 = arith.constant 16 : i32
        %mul3A_149 = arith.muli %add3A_147, %mul3A_148 : i32
        %swap3A_150 = arith.index_cast %mul3A_149 : i32 to index
        %swap3A_151 = tpu.vector_load %arg8[%swap3A_150] {strides = array<i32>} : memref<4096xf32, #tpu.memory_space<vmem>>, vector<16xf32>,
        tpu.vector_store %arg8[%swap3A_150], %gather3A_145 {strides = array<i32>} : memref<4096xf32, #tpu.memory_space<vmem>>, vector<16xf32>,
        %add3A_152 = arith.constant 3 : i32
        %add3A_153 = arith.addi %add3A_109, %add3A_152 : i32
        %mul3A_154 = arith.constant 16 : i32
        %mul3A_155 = arith.muli %add3A_153, %mul3A_154 : i32
        %add3A_156 = arith.constant 4096 : i32
        %add3A_157 = arith.addi %add3A_156, %mul3A_155 : i32
        %get3A_158 = arith.index_cast %add3A_157 : i32 to index
        %get3A_159 = tpu.vector_load %arg5[%get3A_158] {strides = array<i32>} : memref<16384xi32, #tpu.memory_space<vmem>>, vector<16xi32>,
        %gather3A_160 = tpu.vector_load_idx %arg6[%get3A_159] : memref<100000xf32, #tpu.memory_space<vmem>>[vector<16xi32>], vector<16xf32>,
        %add3A_161 = arith.constant 3 : i32
        %add3A_162 = arith.addi %add3A_109, %add3A_161 : i32
        %mul3A_163 = arith.constant 16 : i32
        %mul3A_164 = arith.muli %add3A_162, %mul3A_163 : i32
        %swap3A_165 = arith.index_cast %mul3A_164 : i32 to index
        %swap3A_166 = tpu.vector_load %arg8[%swap3A_165] {strides = array<i32>} : memref<4096xf32, #tpu.memory_space<vmem>>, vector<16xf32>,
        tpu.vector_store %arg8[%swap3A_165], %gather3A_160 {strides = array<i32>} : memref<4096xf32, #tpu.memory_space<vmem>>, vector<16xf32>,
        %add3A_167 = arith.constant 4 : i32
        %add3A_168 = arith.addi %add3A_109, %add3A_167 : i32
        %mul3A_169 = arith.constant 16 : i32
        %mul3A_170 = arith.muli %add3A_168, %mul3A_169 : i32
        %add3A_171 = arith.constant 4096 : i32
        %add3A_172 = arith.addi %add3A_171, %mul3A_170 : i32
        %get3A_173 = arith.index_cast %add3A_172 : i32 to index
        %get3A_174 = tpu.vector_load %arg5[%get3A_173] {strides = array<i32>} : memref<16384xi32, #tpu.memory_space<vmem>>, vector<16xi32>,
        %gather3A_175 = tpu.vector_load_idx %arg6[%get3A_174] : memref<100000xf32, #tpu.memory_space<vmem>>[vector<16xi32>], vector<16xf32>,
        %add3A_176 = arith.constant 4 : i32
        %add3A_177 = arith.addi %add3A_109, %add3A_176 : i32
        %mul3A_178 = arith.constant 16 : i32
        %mul3A_179 = arith.muli %add3A_177, %mul3A_178 : i32
        %swap3A_180 = arith.index_cast %mul3A_179 : i32 to index
        %swap3A_181 = tpu.vector_load %arg8[%swap3A_180] {strides = array<i32>} : memref<4096xf32, #tpu.memory_space<vmem>>, vector<16xf32>,
        tpu.vector_store %arg8[%swap3A_180], %gather3A_175 {strides = array<i32>} : memref<4096xf32, #tpu.memory_space<vmem>>, vector<16xf32>,
        %add3A_182 = arith.constant 5 : i32
        %add3A_183 = arith.addi %add3A_109, %add3A_182 : i32
        %mul3A_184 = arith.constant 16 : i32
        %mul3A_185 = arith.muli %add3A_183, %mul3A_184 : i32
        %add3A_186 = arith.constant 4096 : i32
        %add3A_187 = arith.addi %add3A_186, %mul3A_185 : i32
        %get3A_188 = arith.index_cast %add3A_187 : i32 to index
        %get3A_189 = tpu.vector_load %arg5[%get3A_188] {strides = array<i32>} : memref<16384xi32, #tpu.memory_space<vmem>>, vector<16xi32>,
        %gather3A_190 = tpu.vector_load_idx %arg6[%get3A_189] : memref<100000xf32, #tpu.memory_space<vmem>>[vector<16xi32>], vector<16xf32>,
        %add3A_191 = arith.constant 5 : i32
        %add3A_192 = arith.addi %add3A_109, %add3A_191 : i32
        %mul3A_193 = arith.constant 16 : i32
        %mul3A_194 = arith.muli %add3A_192, %mul3A_193 : i32
        %swap3A_195 = arith.index_cast %mul3A_194 : i32 to index
        %swap3A_196 = tpu.vector_load %arg8[%swap3A_195] {strides = array<i32>} : memref<4096xf32, #tpu.memory_space<vmem>>, vector<16xf32>,
        tpu.vector_store %arg8[%swap3A_195], %gather3A_190 {strides = array<i32>} : memref<4096xf32, #tpu.memory_space<vmem>>, vector<16xf32>,
        %add3A_197 = arith.constant 6 : i32
        %add3A_198 = arith.addi %add3A_109, %add3A_197 : i32
        %mul3A_199 = arith.constant 16 : i32
        %mul3A_200 = arith.muli %add3A_198, %mul3A_199 : i32
        %add3A_201 = arith.constant 4096 : i32
        %add3A_202 = arith.addi %add3A_201, %mul3A_200 : i32
        %get3A_203 = arith.index_cast %add3A_202 : i32 to index
        %get3A_204 = tpu.vector_load %arg5[%get3A_203] {strides = array<i32>} : memref<16384xi32, #tpu.memory_space<vmem>>, vector<16xi32>,
        %gather3A_205 = tpu.vector_load_idx %arg6[%get3A_204] : memref<100000xf32, #tpu.memory_space<vmem>>[vector<16xi32>], vector<16xf32>,
        %add3A_206 = arith.constant 6 : i32
        %add3A_207 = arith.addi %add3A_109, %add3A_206 : i32
        %mul3A_208 = arith.constant 16 : i32
        %mul3A_209 = arith.muli %add3A_207, %mul3A_208 : i32
        %swap3A_210 = arith.index_cast %mul3A_209 : i32 to index
        %swap3A_211 = tpu.vector_load %arg8[%swap3A_210] {strides = array<i32>} : memref<4096xf32, #tpu.memory_space<vmem>>, vector<16xf32>,
        tpu.vector_store %arg8[%swap3A_210], %gather3A_205 {strides = array<i32>} : memref<4096xf32, #tpu.memory_space<vmem>>, vector<16xf32>,
        %add3A_212 = arith.constant 7 : i32
        %add3A_213 = arith.addi %add3A_109, %add3A_212 : i32
        %mul3A_214 = arith.constant 16 : i32
        %mul3A_215 = arith.muli %add3A_213, %mul3A_214 : i32
        %add3A_216 = arith.constant 4096 : i32
        %add3A_217 = arith.addi %add3A_216, %mul3A_215 : i32
        %get3A_218 = arith.index_cast %add3A_217 : i32 to index
        %get3A_219 = tpu.vector_load %arg5[%get3A_218] {strides = array<i32>} : memref<16384xi32, #tpu.memory_space<vmem>>, vector<16xi32>,
        %gather3A_220 = tpu.vector_load_idx %arg6[%get3A_219] : memref<100000xf32, #tpu.memory_space<vmem>>[vector<16xi32>], vector<16xf32>,
        %add3A_221 = arith.constant 7 : i32
        %add3A_222 = arith.addi %add3A_109, %add3A_221 : i32
        %mul3A_223 = arith.constant 16 : i32
        %mul3A_224 = arith.muli %add3A_222, %mul3A_223 : i32
        %swap3A_225 = arith.index_cast %mul3A_224 : i32 to index
        %swap3A_226 = tpu.vector_load %arg8[%swap3A_225] {strides = array<i32>} : memref<4096xf32, #tpu.memory_space<vmem>>, vector<16xf32>,
        tpu.vector_store %arg8[%swap3A_225], %gather3A_220 {strides = array<i32>} : memref<4096xf32, #tpu.memory_space<vmem>>, vector<16xf32>,
        %add3A_227 = arith.constant 8 : i32
        %add3A_228 = arith.addi %add3A_109, %add3A_227 : i32
        %mul3A_229 = arith.constant 16 : i32
        %mul3A_230 = arith.muli %add3A_228, %mul3A_229 : i32
        %add3A_231 = arith.constant 4096 : i32
        %add3A_232 = arith.addi %add3A_231, %mul3A_230 : i32
        %get3A_233 = arith.index_cast %add3A_232 : i32 to index
        %get3A_234 = tpu.vector_load %arg5[%get3A_233] {strides = array<i32>} : memref<16384xi32, #tpu.memory_space<vmem>>, vector<16xi32>,
        %gather3A_235 = tpu.vector_load_idx %arg6[%get3A_234] : memref<100000xf32, #tpu.memory_space<vmem>>[vector<16xi32>], vector<16xf32>,
        %add3A_236 = arith.constant 8 : i32
        %add3A_237 = arith.addi %add3A_109, %add3A_236 : i32
        %mul3A_238 = arith.constant 16 : i32
        %mul3A_239 = arith.muli %add3A_237, %mul3A_238 : i32
        %swap3A_240 = arith.index_cast %mul3A_239 : i32 to index
        %swap3A_241 = tpu.vector_load %arg8[%swap3A_240] {strides = array<i32>} : memref<4096xf32, #tpu.memory_space<vmem>>, vector<16xf32>,
        tpu.vector_store %arg8[%swap3A_240], %gather3A_235 {strides = array<i32>} : memref<4096xf32, #tpu.memory_space<vmem>>, vector<16xf32>,
        %add3A_242 = arith.constant 9 : i32
        %add3A_243 = arith.addi %add3A_109, %add3A_242 : i32
        %mul3A_244 = arith.constant 16 : i32
        %mul3A_245 = arith.muli %add3A_243, %mul3A_244 : i32
        %add3A_246 = arith.constant 4096 : i32
        %add3A_247 = arith.addi %add3A_246, %mul3A_245 : i32
        %get3A_248 = arith.index_cast %add3A_247 : i32 to index
        %get3A_249 = tpu.vector_load %arg5[%get3A_248] {strides = array<i32>} : memref<16384xi32, #tpu.memory_space<vmem>>, vector<16xi32>,
        %gather3A_250 = tpu.vector_load_idx %arg6[%get3A_249] : memref<100000xf32, #tpu.memory_space<vmem>>[vector<16xi32>], vector<16xf32>,
        %add3A_251 = arith.constant 9 : i32
        %add3A_252 = arith.addi %add3A_109, %add3A_251 : i32
        %mul3A_253 = arith.constant 16 : i32
        %mul3A_254 = arith.muli %add3A_252, %mul3A_253 : i32
        %swap3A_255 = arith.index_cast %mul3A_254 : i32 to index
        %swap3A_256 = tpu.vector_load %arg8[%swap3A_255] {strides = array<i32>} : memref<4096xf32, #tpu.memory_space<vmem>>, vector<16xf32>,
        tpu.vector_store %arg8[%swap3A_255], %gather3A_250 {strides = array<i32>} : memref<4096xf32, #tpu.memory_space<vmem>>, vector<16xf32>,
        %add3A_257 = arith.constant 10 : i32
        %add3A_258 = arith.addi %add3A_109, %add3A_257 : i32
        %mul3A_259 = arith.constant 16 : i32
        %mul3A_260 = arith.muli %add3A_258, %mul3A_259 : i32
        %add3A_261 = arith.constant 4096 : i32
        %add3A_262 = arith.addi %add3A_261, %mul3A_260 : i32
        %get3A_263 = arith.index_cast %add3A_262 : i32 to index
        %get3A_264 = tpu.vector_load %arg5[%get3A_263] {strides = array<i32>} : memref<16384xi32, #tpu.memory_space<vmem>>, vector<16xi32>,
        %gather3A_265 = tpu.vector_load_idx %arg6[%get3A_264] : memref<100000xf32, #tpu.memory_space<vmem>>[vector<16xi32>], vector<16xf32>,
        %add3A_266 = arith.constant 10 : i32
        %add3A_267 = arith.addi %add3A_109, %add3A_266 : i32
        %mul3A_268 = arith.constant 16 : i32
        %mul3A_269 = arith.muli %add3A_267, %mul3A_268 : i32
        %swap3A_270 = arith.index_cast %mul3A_269 : i32 to index
        %swap3A_271 = tpu.vector_load %arg8[%swap3A_270] {strides = array<i32>} : memref<4096xf32, #tpu.memory_space<vmem>>, vector<16xf32>,
        tpu.vector_store %arg8[%swap3A_270], %gather3A_265 {strides = array<i32>} : memref<4096xf32, #tpu.memory_space<vmem>>, vector<16xf32>,
        %add3A_272 = arith.constant 11 : i32
        %add3A_273 = arith.addi %add3A_109, %add3A_272 : i32
        %mul3A_274 = arith.constant 16 : i32
        %mul3A_275 = arith.muli %add3A_273, %mul3A_274 : i32
        %add3A_276 = arith.constant 4096 : i32
        %add3A_277 = arith.addi %add3A_276, %mul3A_275 : i32
        %get3A_278 = arith.index_cast %add3A_277 : i32 to index
        %get3A_279 = tpu.vector_load %arg5[%get3A_278] {strides = array<i32>} : memref<16384xi32, #tpu.memory_space<vmem>>, vector<16xi32>,
        %gather3A_280 = tpu.vector_load_idx %arg6[%get3A_279] : memref<100000xf32, #tpu.memory_space<vmem>>[vector<16xi32>], vector<16xf32>,
        %add3A_281 = arith.constant 11 : i32
        %add3A_282 = arith.addi %add3A_109, %add3A_281 : i32
        %mul3A_283 = arith.constant 16 : i32
        %mul3A_284 = arith.muli %add3A_282, %mul3A_283 : i32
        %swap3A_285 = arith.index_cast %mul3A_284 : i32 to index
        %swap3A_286 = tpu.vector_load %arg8[%swap3A_285] {strides = array<i32>} : memref<4096xf32, #tpu.memory_space<vmem>>, vector<16xf32>,
        tpu.vector_store %arg8[%swap3A_285], %gather3A_280 {strides = array<i32>} : memref<4096xf32, #tpu.memory_space<vmem>>, vector<16xf32>,
        %add3A_287 = arith.constant 12 : i32
        %add3A_288 = arith.addi %add3A_109, %add3A_287 : i32
        %mul3A_289 = arith.constant 16 : i32
        %mul3A_290 = arith.muli %add3A_288, %mul3A_289 : i32
        %add3A_291 = arith.constant 4096 : i32
        %add3A_292 = arith.addi %add3A_291, %mul3A_290 : i32
        %get3A_293 = arith.index_cast %add3A_292 : i32 to index
        %get3A_294 = tpu.vector_load %arg5[%get3A_293] {strides = array<i32>} : memref<16384xi32, #tpu.memory_space<vmem>>, vector<16xi32>,
        %gather3A_295 = tpu.vector_load_idx %arg6[%get3A_294] : memref<100000xf32, #tpu.memory_space<vmem>>[vector<16xi32>], vector<16xf32>,
        %add3A_296 = arith.constant 12 : i32
        %add3A_297 = arith.addi %add3A_109, %add3A_296 : i32
        %mul3A_298 = arith.constant 16 : i32
        %mul3A_299 = arith.muli %add3A_297, %mul3A_298 : i32
        %swap3A_300 = arith.index_cast %mul3A_299 : i32 to index
        %swap3A_301 = tpu.vector_load %arg8[%swap3A_300] {strides = array<i32>} : memref<4096xf32, #tpu.memory_space<vmem>>, vector<16xf32>,
        tpu.vector_store %arg8[%swap3A_300], %gather3A_295 {strides = array<i32>} : memref<4096xf32, #tpu.memory_space<vmem>>, vector<16xf32>,
        %add3A_302 = arith.constant 13 : i32
        %add3A_303 = arith.addi %add3A_109, %add3A_302 : i32
        %mul3A_304 = arith.constant 16 : i32
        %mul3A_305 = arith.muli %add3A_303, %mul3A_304 : i32
        %add3A_306 = arith.constant 4096 : i32
        %add3A_307 = arith.addi %add3A_306, %mul3A_305 : i32
        %get3A_308 = arith.index_cast %add3A_307 : i32 to index
        %get3A_309 = tpu.vector_load %arg5[%get3A_308] {strides = array<i32>} : memref<16384xi32, #tpu.memory_space<vmem>>, vector<16xi32>,
        %gather3A_310 = tpu.vector_load_idx %arg6[%get3A_309] : memref<100000xf32, #tpu.memory_space<vmem>>[vector<16xi32>], vector<16xf32>,
        %add3A_311 = arith.constant 13 : i32
        %add3A_312 = arith.addi %add3A_109, %add3A_311 : i32
        %mul3A_313 = arith.constant 16 : i32
        %mul3A_314 = arith.muli %add3A_312, %mul3A_313 : i32
        %swap3A_315 = arith.index_cast %mul3A_314 : i32 to index
        %swap3A_316 = tpu.vector_load %arg8[%swap3A_315] {strides = array<i32>} : memref<4096xf32, #tpu.memory_space<vmem>>, vector<16xf32>,
        tpu.vector_store %arg8[%swap3A_315], %gather3A_310 {strides = array<i32>} : memref<4096xf32, #tpu.memory_space<vmem>>, vector<16xf32>,
        %add3A_317 = arith.constant 14 : i32
        %add3A_318 = arith.addi %add3A_109, %add3A_317 : i32
        %mul3A_319 = arith.constant 16 : i32
        %mul3A_320 = arith.muli %add3A_318, %mul3A_319 : i32
        %add3A_321 = arith.constant 4096 : i32
        %add3A_322 = arith.addi %add3A_321, %mul3A_320 : i32
        %get3A_323 = arith.index_cast %add3A_322 : i32 to index
        %get3A_324 = tpu.vector_load %arg5[%get3A_323] {strides = array<i32>} : memref<16384xi32, #tpu.memory_space<vmem>>, vector<16xi32>,
        %gather3A_325 = tpu.vector_load_idx %arg6[%get3A_324] : memref<100000xf32, #tpu.memory_space<vmem>>[vector<16xi32>], vector<16xf32>,
        %add3A_326 = arith.constant 14 : i32
        %add3A_327 = arith.addi %add3A_109, %add3A_326 : i32
        %mul3A_328 = arith.constant 16 : i32
        %mul3A_329 = arith.muli %add3A_327, %mul3A_328 : i32
        %swap3A_330 = arith.index_cast %mul3A_329 : i32 to index
        %swap3A_331 = tpu.vector_load %arg8[%swap3A_330] {strides = array<i32>} : memref<4096xf32, #tpu.memory_space<vmem>>, vector<16xf32>,
        tpu.vector_store %arg8[%swap3A_330], %gather3A_325 {strides = array<i32>} : memref<4096xf32, #tpu.memory_space<vmem>>, vector<16xf32>,
        %add3A_332 = arith.constant 15 : i32
        %add3A_333 = arith.addi %add3A_109, %add3A_332 : i32
        %mul3A_334 = arith.constant 16 : i32
        %mul3A_335 = arith.muli %add3A_333, %mul3A_334 : i32
        %add3A_336 = arith.constant 4096 : i32
        %add3A_337 = arith.addi %add3A_336, %mul3A_335 : i32
        %get3A_338 = arith.index_cast %add3A_337 : i32 to index
        %get3A_339 = tpu.vector_load %arg5[%get3A_338] {strides = array<i32>} : memref<16384xi32, #tpu.memory_space<vmem>>, vector<16xi32>,
        %gather3A_340 = tpu.vector_load_idx %arg6[%get3A_339] : memref<100000xf32, #tpu.memory_space<vmem>>[vector<16xi32>], vector<16xf32>,
        %add3A_341 = arith.constant 15 : i32
        %add3A_342 = arith.addi %add3A_109, %add3A_341 : i32
        %mul3A_343 = arith.constant 16 : i32
        %mul3A_344 = arith.muli %add3A_342, %mul3A_343 : i32
        %swap3A_345 = arith.index_cast %mul3A_344 : i32 to index
        %swap3A_346 = tpu.vector_load %arg8[%swap3A_345] {strides = array<i32>} : memref<4096xf32, #tpu.memory_space<vmem>>, vector<16xf32>,
        tpu.vector_store %arg8[%swap3A_345], %gather3A_340 {strides = array<i32>} : memref<4096xf32, #tpu.memory_space<vmem>>, vector<16xf32>,
      }
      %scan3A_64 = arith.constant 16 : i32
      %dma_start3A_65 = arith.constant 4096 : i32
      %dma_start3A_66 = tpu.memref_slice %arg4[%add3A_22, %arg1, %dma_start3A_65] : memref<16x16x16384xf32, #tpu.memory_space<hbm>> -> memref<1x1x4096xf32, #tpu.memory_space<hbm>>
      %dma_start3A_67 = tpu.memref_squeeze %dma_start3A_66 : memref<1x1x4096xf32, #tpu.memory_space<hbm>> -> memref<4096xf32, #tpu.memory_space<hbm>>
      %dma_start3A_68 = arith.constant 4096 : i32
      %dma_start3A_69 = tpu.memref_slice %arg4[%add3A_22, %arg1, %dma_start3A_68] : memref<16x16x16384xf32, #tpu.memory_space<hbm>> -> memref<1x1x4096xf32, #tpu.memory_space<hbm>>
      %dma_start3A_70 = tpu.memref_squeeze %dma_start3A_69 : memref<1x1x4096xf32, #tpu.memory_space<hbm>> -> memref<4096xf32, #tpu.memory_space<hbm>>
      tpu.enqueue_dma source(%arg8 : memref<4096xf32, #tpu.memory_space<vmem>>) target(%dma_start3A_70 : memref<4096xf32, #tpu.memory_space<hbm>>) target_semaphore(%arg11 : memref<!tpu.dma_semaphore, #tpu.memory_space<semaphore_mem>>)
      %dma_wait3A_71 = arith.constant 8192 : i32
      %dma_wait3A_72 = tpu.memref_slice %arg4[%add3A_22, %arg1, %dma_wait3A_71] : memref<16x16x16384xf32, #tpu.memory_space<hbm>> -> memref<1x1x4096xf32, #tpu.memory_space<hbm>>
      %dma_wait3A_73 = tpu.memref_squeeze %dma_wait3A_72 : memref<1x1x4096xf32, #tpu.memory_space<hbm>> -> memref<4096xf32, #tpu.memory_space<hbm>>
      %dma_wait3A_74 = arith.constant 8192 : i32
      %dma_wait3A_75 = tpu.memref_slice %arg4[%add3A_22, %arg1, %dma_wait3A_74] : memref<16x16x16384xf32, #tpu.memory_space<hbm>> -> memref<1x1x4096xf32, #tpu.memory_space<hbm>>
      %dma_wait3A_76 = tpu.memref_squeeze %dma_wait3A_75 : memref<1x1x4096xf32, #tpu.memory_space<hbm>> -> memref<4096xf32, #tpu.memory_space<hbm>>
      tpu.wait_dma2 semaphore(%arg10 : memref<!tpu.dma_semaphore, #tpu.memory_space<semaphore_mem>>) src(%arg7 : memref<4096xf32, #tpu.memory_space<vmem>>) dst(%dma_wait3A_76 : memref<4096xf32, #tpu.memory_space<hbm>>)
      %scan3A_77 = arith.constant 0 : i32
      %scan3A_78 = arith.constant 16 : i32
      %scan3A_79 = arith.addi %scan3A_77, %scan3A_78 : i32
      %scan3A_80 = arith.constant 1 : i32
      scf.for %scan3A_105 = %scan3A_77 to %scan3A_79 step %scan3A_80  : i32 {
        %mul3A_106 = arith.constant 16 : i32
        %mul3A_107 = arith.muli %scan3A_105, %mul3A_106 : i32
        %add3A_108 = arith.constant 0 : i32
        %add3A_109 = arith.addi %add3A_108, %mul3A_107 : i32
        %add3A_110 = arith.constant 0 : i32
        %add3A_111 = arith.addi %add3A_109, %add3A_110 : i32
        %mul3A_112 = arith.constant 16 : i32
        %mul3A_113 = arith.muli %add3A_111, %mul3A_112 : i32
        %add3A_114 = arith.constant 8192 : i32
        %add3A_115 = arith.addi %add3A_114, %mul3A_113 : i32
        %get3A = arith.index_cast %add3A_115 : i32 to index
        %get3A_116 = tpu.vector_load %arg5[%get3A] {strides = array<i32>} : memref<16384xi32, #tpu.memory_space<vmem>>, vector<16xi32>,
        %gather3A = tpu.vector_load_idx %arg6[%get3A_116] : memref<100000xf32, #tpu.memory_space<vmem>>[vector<16xi32>], vector<16xf32>,
        %add3A_117 = arith.constant 0 : i32
        %add3A_118 = arith.addi %add3A_109, %add3A_117 : i32
        %mul3A_119 = arith.constant 16 : i32
        %mul3A_120 = arith.muli %add3A_118, %mul3A_119 : i32
        %swap3A = arith.index_cast %mul3A_120 : i32 to index
        %swap3A_121 = tpu.vector_load %arg7[%swap3A] {strides = array<i32>} : memref<4096xf32, #tpu.memory_space<vmem>>, vector<16xf32>,
        tpu.vector_store %arg7[%swap3A], %gather3A {strides = array<i32>} : memref<4096xf32, #tpu.memory_space<vmem>>, vector<16xf32>,
        %add3A_122 = arith.constant 1 : i32
        %add3A_123 = arith.addi %add3A_109, %add3A_122 : i32
        %mul3A_124 = arith.constant 16 : i32
        %mul3A_125 = arith.muli %add3A_123, %mul3A_124 : i32
        %add3A_126 = arith.constant 8192 : i32
        %add3A_127 = arith.addi %add3A_126, %mul3A_125 : i32
        %get3A_128 = arith.index_cast %add3A_127 : i32 to index
        %get3A_129 = tpu.vector_load %arg5[%get3A_128] {strides = array<i32>} : memref<16384xi32, #tpu.memory_space<vmem>>, vector<16xi32>,
        %gather3A_130 = tpu.vector_load_idx %arg6[%get3A_129] : memref<100000xf32, #tpu.memory_space<vmem>>[vector<16xi32>], vector<16xf32>,
        %add3A_131 = arith.constant 1 : i32
        %add3A_132 = arith.addi %add3A_109, %add3A_131 : i32
        %mul3A_133 = arith.constant 16 : i32
        %mul3A_134 = arith.muli %add3A_132, %mul3A_133 : i32
        %swap3A_135 = arith.index_cast %mul3A_134 : i32 to index
        %swap3A_136 = tpu.vector_load %arg7[%swap3A_135] {strides = array<i32>} : memref<4096xf32, #tpu.memory_space<vmem>>, vector<16xf32>,
        tpu.vector_store %arg7[%swap3A_135], %gather3A_130 {strides = array<i32>} : memref<4096xf32, #tpu.memory_space<vmem>>, vector<16xf32>,
        %add3A_137 = arith.constant 2 : i32
        %add3A_138 = arith.addi %add3A_109, %add3A_137 : i32
        %mul3A_139 = arith.constant 16 : i32
        %mul3A_140 = arith.muli %add3A_138, %mul3A_139 : i32
        %add3A_141 = arith.constant 8192 : i32
        %add3A_142 = arith.addi %add3A_141, %mul3A_140 : i32
        %get3A_143 = arith.index_cast %add3A_142 : i32 to index
        %get3A_144 = tpu.vector_load %arg5[%get3A_143] {strides = array<i32>} : memref<16384xi32, #tpu.memory_space<vmem>>, vector<16xi32>,
        %gather3A_145 = tpu.vector_load_idx %arg6[%get3A_144] : memref<100000xf32, #tpu.memory_space<vmem>>[vector<16xi32>], vector<16xf32>,
        %add3A_146 = arith.constant 2 : i32
        %add3A_147 = arith.addi %add3A_109, %add3A_146 : i32
        %mul3A_148 = arith.constant 16 : i32
        %mul3A_149 = arith.muli %add3A_147, %mul3A_148 : i32
        %swap3A_150 = arith.index_cast %mul3A_149 : i32 to index
        %swap3A_151 = tpu.vector_load %arg7[%swap3A_150] {strides = array<i32>} : memref<4096xf32, #tpu.memory_space<vmem>>, vector<16xf32>,
        tpu.vector_store %arg7[%swap3A_150], %gather3A_145 {strides = array<i32>} : memref<4096xf32, #tpu.memory_space<vmem>>, vector<16xf32>,
        %add3A_152 = arith.constant 3 : i32
        %add3A_153 = arith.addi %add3A_109, %add3A_152 : i32
        %mul3A_154 = arith.constant 16 : i32
        %mul3A_155 = arith.muli %add3A_153, %mul3A_154 : i32
        %add3A_156 = arith.constant 8192 : i32
        %add3A_157 = arith.addi %add3A_156, %mul3A_155 : i32
        %get3A_158 = arith.index_cast %add3A_157 : i32 to index
        %get3A_159 = tpu.vector_load %arg5[%get3A_158] {strides = array<i32>} : memref<16384xi32, #tpu.memory_space<vmem>>, vector<16xi32>,
        %gather3A_160 = tpu.vector_load_idx %arg6[%get3A_159] : memref<100000xf32, #tpu.memory_space<vmem>>[vector<16xi32>], vector<16xf32>,
        %add3A_161 = arith.constant 3 : i32
        %add3A_162 = arith.addi %add3A_109, %add3A_161 : i32
        %mul3A_163 = arith.constant 16 : i32
        %mul3A_164 = arith.muli %add3A_162, %mul3A_163 : i32
        %swap3A_165 = arith.index_cast %mul3A_164 : i32 to index
        %swap3A_166 = tpu.vector_load %arg7[%swap3A_165] {strides = array<i32>} : memref<4096xf32, #tpu.memory_space<vmem>>, vector<16xf32>,
        tpu.vector_store %arg7[%swap3A_165], %gather3A_160 {strides = array<i32>} : memref<4096xf32, #tpu.memory_space<vmem>>, vector<16xf32>,
        %add3A_167 = arith.constant 4 : i32
        %add3A_168 = arith.addi %add3A_109, %add3A_167 : i32
        %mul3A_169 = arith.constant 16 : i32
        %mul3A_170 = arith.muli %add3A_168, %mul3A_169 : i32
        %add3A_171 = arith.constant 8192 : i32
        %add3A_172 = arith.addi %add3A_171, %mul3A_170 : i32
        %get3A_173 = arith.index_cast %add3A_172 : i32 to index
        %get3A_174 = tpu.vector_load %arg5[%get3A_173] {strides = array<i32>} : memref<16384xi32, #tpu.memory_space<vmem>>, vector<16xi32>,
        %gather3A_175 = tpu.vector_load_idx %arg6[%get3A_174] : memref<100000xf32, #tpu.memory_space<vmem>>[vector<16xi32>], vector<16xf32>,
        %add3A_176 = arith.constant 4 : i32
        %add3A_177 = arith.addi %add3A_109, %add3A_176 : i32
        %mul3A_178 = arith.constant 16 : i32
        %mul3A_179 = arith.muli %add3A_177, %mul3A_178 : i32
        %swap3A_180 = arith.index_cast %mul3A_179 : i32 to index
        %swap3A_181 = tpu.vector_load %arg7[%swap3A_180] {strides = array<i32>} : memref<4096xf32, #tpu.memory_space<vmem>>, vector<16xf32>,
        tpu.vector_store %arg7[%swap3A_180], %gather3A_175 {strides = array<i32>} : memref<4096xf32, #tpu.memory_space<vmem>>, vector<16xf32>,
        %add3A_182 = arith.constant 5 : i32
        %add3A_183 = arith.addi %add3A_109, %add3A_182 : i32
        %mul3A_184 = arith.constant 16 : i32
        %mul3A_185 = arith.muli %add3A_183, %mul3A_184 : i32
        %add3A_186 = arith.constant 8192 : i32
        %add3A_187 = arith.addi %add3A_186, %mul3A_185 : i32
        %get3A_188 = arith.index_cast %add3A_187 : i32 to index
        %get3A_189 = tpu.vector_load %arg5[%get3A_188] {strides = array<i32>} : memref<16384xi32, #tpu.memory_space<vmem>>, vector<16xi32>,
        %gather3A_190 = tpu.vector_load_idx %arg6[%get3A_189] : memref<100000xf32, #tpu.memory_space<vmem>>[vector<16xi32>], vector<16xf32>,
        %add3A_191 = arith.constant 5 : i32
        %add3A_192 = arith.addi %add3A_109, %add3A_191 : i32
        %mul3A_193 = arith.constant 16 : i32
        %mul3A_194 = arith.muli %add3A_192, %mul3A_193 : i32
        %swap3A_195 = arith.index_cast %mul3A_194 : i32 to index
        %swap3A_196 = tpu.vector_load %arg7[%swap3A_195] {strides = array<i32>} : memref<4096xf32, #tpu.memory_space<vmem>>, vector<16xf32>,
        tpu.vector_store %arg7[%swap3A_195], %gather3A_190 {strides = array<i32>} : memref<4096xf32, #tpu.memory_space<vmem>>, vector<16xf32>,
        %add3A_197 = arith.constant 6 : i32
        %add3A_198 = arith.addi %add3A_109, %add3A_197 : i32
        %mul3A_199 = arith.constant 16 : i32
        %mul3A_200 = arith.muli %add3A_198, %mul3A_199 : i32
        %add3A_201 = arith.constant 8192 : i32
        %add3A_202 = arith.addi %add3A_201, %mul3A_200 : i32
        %get3A_203 = arith.index_cast %add3A_202 : i32 to index
        %get3A_204 = tpu.vector_load %arg5[%get3A_203] {strides = array<i32>} : memref<16384xi32, #tpu.memory_space<vmem>>, vector<16xi32>,
        %gather3A_205 = tpu.vector_load_idx %arg6[%get3A_204] : memref<100000xf32, #tpu.memory_space<vmem>>[vector<16xi32>], vector<16xf32>,
        %add3A_206 = arith.constant 6 : i32
        %add3A_207 = arith.addi %add3A_109, %add3A_206 : i32
        %mul3A_208 = arith.constant 16 : i32
        %mul3A_209 = arith.muli %add3A_207, %mul3A_208 : i32
        %swap3A_210 = arith.index_cast %mul3A_209 : i32 to index
        %swap3A_211 = tpu.vector_load %arg7[%swap3A_210] {strides = array<i32>} : memref<4096xf32, #tpu.memory_space<vmem>>, vector<16xf32>,
        tpu.vector_store %arg7[%swap3A_210], %gather3A_205 {strides = array<i32>} : memref<4096xf32, #tpu.memory_space<vmem>>, vector<16xf32>,
        %add3A_212 = arith.constant 7 : i32
        %add3A_213 = arith.addi %add3A_109, %add3A_212 : i32
        %mul3A_214 = arith.constant 16 : i32
        %mul3A_215 = arith.muli %add3A_213, %mul3A_214 : i32
        %add3A_216 = arith.constant 8192 : i32
        %add3A_217 = arith.addi %add3A_216, %mul3A_215 : i32
        %get3A_218 = arith.index_cast %add3A_217 : i32 to index
        %get3A_219 = tpu.vector_load %arg5[%get3A_218] {strides = array<i32>} : memref<16384xi32, #tpu.memory_space<vmem>>, vector<16xi32>,
        %gather3A_220 = tpu.vector_load_idx %arg6[%get3A_219] : memref<100000xf32, #tpu.memory_space<vmem>>[vector<16xi32>], vector<16xf32>,
        %add3A_221 = arith.constant 7 : i32
        %add3A_222 = arith.addi %add3A_109, %add3A_221 : i32
        %mul3A_223 = arith.constant 16 : i32
        %mul3A_224 = arith.muli %add3A_222, %mul3A_223 : i32
        %swap3A_225 = arith.index_cast %mul3A_224 : i32 to index
        %swap3A_226 = tpu.vector_load %arg7[%swap3A_225] {strides = array<i32>} : memref<4096xf32, #tpu.memory_space<vmem>>, vector<16xf32>,
        tpu.vector_store %arg7[%swap3A_225], %gather3A_220 {strides = array<i32>} : memref<4096xf32, #tpu.memory_space<vmem>>, vector<16xf32>,
        %add3A_227 = arith.constant 8 : i32
        %add3A_228 = arith.addi %add3A_109, %add3A_227 : i32
        %mul3A_229 = arith.constant 16 : i32
        %mul3A_230 = arith.muli %add3A_228, %mul3A_229 : i32
        %add3A_231 = arith.constant 8192 : i32
        %add3A_232 = arith.addi %add3A_231, %mul3A_230 : i32
        %get3A_233 = arith.index_cast %add3A_232 : i32 to index
        %get3A_234 = tpu.vector_load %arg5[%get3A_233] {strides = array<i32>} : memref<16384xi32, #tpu.memory_space<vmem>>, vector<16xi32>,
        %gather3A_235 = tpu.vector_load_idx %arg6[%get3A_234] : memref<100000xf32, #tpu.memory_space<vmem>>[vector<16xi32>], vector<16xf32>,
        %add3A_236 = arith.constant 8 : i32
        %add3A_237 = arith.addi %add3A_109, %add3A_236 : i32
        %mul3A_238 = arith.constant 16 : i32
        %mul3A_239 = arith.muli %add3A_237, %mul3A_238 : i32
        %swap3A_240 = arith.index_cast %mul3A_239 : i32 to index
        %swap3A_241 = tpu.vector_load %arg7[%swap3A_240] {strides = array<i32>} : memref<4096xf32, #tpu.memory_space<vmem>>, vector<16xf32>,
        tpu.vector_store %arg7[%swap3A_240], %gather3A_235 {strides = array<i32>} : memref<4096xf32, #tpu.memory_space<vmem>>, vector<16xf32>,
        %add3A_242 = arith.constant 9 : i32
        %add3A_243 = arith.addi %add3A_109, %add3A_242 : i32
        %mul3A_244 = arith.constant 16 : i32
        %mul3A_245 = arith.muli %add3A_243, %mul3A_244 : i32
        %add3A_246 = arith.constant 8192 : i32
        %add3A_247 = arith.addi %add3A_246, %mul3A_245 : i32
        %get3A_248 = arith.index_cast %add3A_247 : i32 to index
        %get3A_249 = tpu.vector_load %arg5[%get3A_248] {strides = array<i32>} : memref<16384xi32, #tpu.memory_space<vmem>>, vector<16xi32>,
        %gather3A_250 = tpu.vector_load_idx %arg6[%get3A_249] : memref<100000xf32, #tpu.memory_space<vmem>>[vector<16xi32>], vector<16xf32>,
        %add3A_251 = arith.constant 9 : i32
        %add3A_252 = arith.addi %add3A_109, %add3A_251 : i32
        %mul3A_253 = arith.constant 16 : i32
        %mul3A_254 = arith.muli %add3A_252, %mul3A_253 : i32
        %swap3A_255 = arith.index_cast %mul3A_254 : i32 to index
        %swap3A_256 = tpu.vector_load %arg7[%swap3A_255] {strides = array<i32>} : memref<4096xf32, #tpu.memory_space<vmem>>, vector<16xf32>,
        tpu.vector_store %arg7[%swap3A_255], %gather3A_250 {strides = array<i32>} : memref<4096xf32, #tpu.memory_space<vmem>>, vector<16xf32>,
        %add3A_257 = arith.constant 10 : i32
        %add3A_258 = arith.addi %add3A_109, %add3A_257 : i32
        %mul3A_259 = arith.constant 16 : i32
        %mul3A_260 = arith.muli %add3A_258, %mul3A_259 : i32
        %add3A_261 = arith.constant 8192 : i32
        %add3A_262 = arith.addi %add3A_261, %mul3A_260 : i32
        %get3A_263 = arith.index_cast %add3A_262 : i32 to index
        %get3A_264 = tpu.vector_load %arg5[%get3A_263] {strides = array<i32>} : memref<16384xi32, #tpu.memory_space<vmem>>, vector<16xi32>,
        %gather3A_265 = tpu.vector_load_idx %arg6[%get3A_264] : memref<100000xf32, #tpu.memory_space<vmem>>[vector<16xi32>], vector<16xf32>,
        %add3A_266 = arith.constant 10 : i32
        %add3A_267 = arith.addi %add3A_109, %add3A_266 : i32
        %mul3A_268 = arith.constant 16 : i32
        %mul3A_269 = arith.muli %add3A_267, %mul3A_268 : i32
        %swap3A_270 = arith.index_cast %mul3A_269 : i32 to index
        %swap3A_271 = tpu.vector_load %arg7[%swap3A_270] {strides = array<i32>} : memref<4096xf32, #tpu.memory_space<vmem>>, vector<16xf32>,
        tpu.vector_store %arg7[%swap3A_270], %gather3A_265 {strides = array<i32>} : memref<4096xf32, #tpu.memory_space<vmem>>, vector<16xf32>,
        %add3A_272 = arith.constant 11 : i32
        %add3A_273 = arith.addi %add3A_109, %add3A_272 : i32
        %mul3A_274 = arith.constant 16 : i32
        %mul3A_275 = arith.muli %add3A_273, %mul3A_274 : i32
        %add3A_276 = arith.constant 8192 : i32
        %add3A_277 = arith.addi %add3A_276, %mul3A_275 : i32
        %get3A_278 = arith.index_cast %add3A_277 : i32 to index
        %get3A_279 = tpu.vector_load %arg5[%get3A_278] {strides = array<i32>} : memref<16384xi32, #tpu.memory_space<vmem>>, vector<16xi32>,
        %gather3A_280 = tpu.vector_load_idx %arg6[%get3A_279] : memref<100000xf32, #tpu.memory_space<vmem>>[vector<16xi32>], vector<16xf32>,
        %add3A_281 = arith.constant 11 : i32
        %add3A_282 = arith.addi %add3A_109, %add3A_281 : i32
        %mul3A_283 = arith.constant 16 : i32
        %mul3A_284 = arith.muli %add3A_282, %mul3A_283 : i32
        %swap3A_285 = arith.index_cast %mul3A_284 : i32 to index
        %swap3A_286 = tpu.vector_load %arg7[%swap3A_285] {strides = array<i32>} : memref<4096xf32, #tpu.memory_space<vmem>>, vector<16xf32>,
        tpu.vector_store %arg7[%swap3A_285], %gather3A_280 {strides = array<i32>} : memref<4096xf32, #tpu.memory_space<vmem>>, vector<16xf32>,
        %add3A_287 = arith.constant 12 : i32
        %add3A_288 = arith.addi %add3A_109, %add3A_287 : i32
        %mul3A_289 = arith.constant 16 : i32
        %mul3A_290 = arith.muli %add3A_288, %mul3A_289 : i32
        %add3A_291 = arith.constant 8192 : i32
        %add3A_292 = arith.addi %add3A_291, %mul3A_290 : i32
        %get3A_293 = arith.index_cast %add3A_292 : i32 to index
        %get3A_294 = tpu.vector_load %arg5[%get3A_293] {strides = array<i32>} : memref<16384xi32, #tpu.memory_space<vmem>>, vector<16xi32>,
        %gather3A_295 = tpu.vector_load_idx %arg6[%get3A_294] : memref<100000xf32, #tpu.memory_space<vmem>>[vector<16xi32>], vector<16xf32>,
        %add3A_296 = arith.constant 12 : i32
        %add3A_297 = arith.addi %add3A_109, %add3A_296 : i32
        %mul3A_298 = arith.constant 16 : i32
        %mul3A_299 = arith.muli %add3A_297, %mul3A_298 : i32
        %swap3A_300 = arith.index_cast %mul3A_299 : i32 to index
        %swap3A_301 = tpu.vector_load %arg7[%swap3A_300] {strides = array<i32>} : memref<4096xf32, #tpu.memory_space<vmem>>, vector<16xf32>,
        tpu.vector_store %arg7[%swap3A_300], %gather3A_295 {strides = array<i32>} : memref<4096xf32, #tpu.memory_space<vmem>>, vector<16xf32>,
        %add3A_302 = arith.constant 13 : i32
        %add3A_303 = arith.addi %add3A_109, %add3A_302 : i32
        %mul3A_304 = arith.constant 16 : i32
        %mul3A_305 = arith.muli %add3A_303, %mul3A_304 : i32
        %add3A_306 = arith.constant 8192 : i32
        %add3A_307 = arith.addi %add3A_306, %mul3A_305 : i32
        %get3A_308 = arith.index_cast %add3A_307 : i32 to index
        %get3A_309 = tpu.vector_load %arg5[%get3A_308] {strides = array<i32>} : memref<16384xi32, #tpu.memory_space<vmem>>, vector<16xi32>,
        %gather3A_310 = tpu.vector_load_idx %arg6[%get3A_309] : memref<100000xf32, #tpu.memory_space<vmem>>[vector<16xi32>], vector<16xf32>,
        %add3A_311 = arith.constant 13 : i32
        %add3A_312 = arith.addi %add3A_109, %add3A_311 : i32
        %mul3A_313 = arith.constant 16 : i32
        %mul3A_314 = arith.muli %add3A_312, %mul3A_313 : i32
        %swap3A_315 = arith.index_cast %mul3A_314 : i32 to index
        %swap3A_316 = tpu.vector_load %arg7[%swap3A_315] {strides = array<i32>} : memref<4096xf32, #tpu.memory_space<vmem>>, vector<16xf32>,
        tpu.vector_store %arg7[%swap3A_315], %gather3A_310 {strides = array<i32>} : memref<4096xf32, #tpu.memory_space<vmem>>, vector<16xf32>,
        %add3A_317 = arith.constant 14 : i32
        %add3A_318 = arith.addi %add3A_109, %add3A_317 : i32
        %mul3A_319 = arith.constant 16 : i32
        %mul3A_320 = arith.muli %add3A_318, %mul3A_319 : i32
        %add3A_321 = arith.constant 8192 : i32
        %add3A_322 = arith.addi %add3A_321, %mul3A_320 : i32
        %get3A_323 = arith.index_cast %add3A_322 : i32 to index
        %get3A_324 = tpu.vector_load %arg5[%get3A_323] {strides = array<i32>} : memref<16384xi32, #tpu.memory_space<vmem>>, vector<16xi32>,
        %gather3A_325 = tpu.vector_load_idx %arg6[%get3A_324] : memref<100000xf32, #tpu.memory_space<vmem>>[vector<16xi32>], vector<16xf32>,
        %add3A_326 = arith.constant 14 : i32
        %add3A_327 = arith.addi %add3A_109, %add3A_326 : i32
        %mul3A_328 = arith.constant 16 : i32
        %mul3A_329 = arith.muli %add3A_327, %mul3A_328 : i32
        %swap3A_330 = arith.index_cast %mul3A_329 : i32 to index
        %swap3A_331 = tpu.vector_load %arg7[%swap3A_330] {strides = array<i32>} : memref<4096xf32, #tpu.memory_space<vmem>>, vector<16xf32>,
        tpu.vector_store %arg7[%swap3A_330], %gather3A_325 {strides = array<i32>} : memref<4096xf32, #tpu.memory_space<vmem>>, vector<16xf32>,
        %add3A_332 = arith.constant 15 : i32
        %add3A_333 = arith.addi %add3A_109, %add3A_332 : i32
        %mul3A_334 = arith.constant 16 : i32
        %mul3A_335 = arith.muli %add3A_333, %mul3A_334 : i32
        %add3A_336 = arith.constant 8192 : i32
        %add3A_337 = arith.addi %add3A_336, %mul3A_335 : i32
        %get3A_338 = arith.index_cast %add3A_337 : i32 to index
        %get3A_339 = tpu.vector_load %arg5[%get3A_338] {strides = array<i32>} : memref<16384xi32, #tpu.memory_space<vmem>>, vector<16xi32>,
        %gather3A_340 = tpu.vector_load_idx %arg6[%get3A_339] : memref<100000xf32, #tpu.memory_space<vmem>>[vector<16xi32>], vector<16xf32>,
        %add3A_341 = arith.constant 15 : i32
        %add3A_342 = arith.addi %add3A_109, %add3A_341 : i32
        %mul3A_343 = arith.constant 16 : i32
        %mul3A_344 = arith.muli %add3A_342, %mul3A_343 : i32
        %swap3A_345 = arith.index_cast %mul3A_344 : i32 to index
        %swap3A_346 = tpu.vector_load %arg7[%swap3A_345] {strides = array<i32>} : memref<4096xf32, #tpu.memory_space<vmem>>, vector<16xf32>,
        tpu.vector_store %arg7[%swap3A_345], %gather3A_340 {strides = array<i32>} : memref<4096xf32, #tpu.memory_space<vmem>>, vector<16xf32>,
      }
      %scan3A_81 = arith.constant 16 : i32
      %dma_start3A_82 = arith.constant 8192 : i32
      %dma_start3A_83 = tpu.memref_slice %arg4[%add3A_22, %arg1, %dma_start3A_82] : memref<16x16x16384xf32, #tpu.memory_space<hbm>> -> memref<1x1x4096xf32, #tpu.memory_space<hbm>>
      %dma_start3A_84 = tpu.memref_squeeze %dma_start3A_83 : memref<1x1x4096xf32, #tpu.memory_space<hbm>> -> memref<4096xf32, #tpu.memory_space<hbm>>
      %dma_start3A_85 = arith.constant 8192 : i32
      %dma_start3A_86 = tpu.memref_slice %arg4[%add3A_22, %arg1, %dma_start3A_85] : memref<16x16x16384xf32, #tpu.memory_space<hbm>> -> memref<1x1x4096xf32, #tpu.memory_space<hbm>>
      %dma_start3A_87 = tpu.memref_squeeze %dma_start3A_86 : memref<1x1x4096xf32, #tpu.memory_space<hbm>> -> memref<4096xf32, #tpu.memory_space<hbm>>
      tpu.enqueue_dma source(%arg7 : memref<4096xf32, #tpu.memory_space<vmem>>) target(%dma_start3A_87 : memref<4096xf32, #tpu.memory_space<hbm>>) target_semaphore(%arg10 : memref<!tpu.dma_semaphore, #tpu.memory_space<semaphore_mem>>)
      %dma_wait3A_88 = arith.constant 12288 : i32
      %dma_wait3A_89 = tpu.memref_slice %arg4[%add3A_22, %arg1, %dma_wait3A_88] : memref<16x16x16384xf32, #tpu.memory_space<hbm>> -> memref<1x1x4096xf32, #tpu.memory_space<hbm>>
      %dma_wait3A_90 = tpu.memref_squeeze %dma_wait3A_89 : memref<1x1x4096xf32, #tpu.memory_space<hbm>> -> memref<4096xf32, #tpu.memory_space<hbm>>
      %dma_wait3A_91 = arith.constant 12288 : i32
      %dma_wait3A_92 = tpu.memref_slice %arg4[%add3A_22, %arg1, %dma_wait3A_91] : memref<16x16x16384xf32, #tpu.memory_space<hbm>> -> memref<1x1x4096xf32, #tpu.memory_space<hbm>>
      %dma_wait3A_93 = tpu.memref_squeeze %dma_wait3A_92 : memref<1x1x4096xf32, #tpu.memory_space<hbm>> -> memref<4096xf32, #tpu.memory_space<hbm>>
      tpu.wait_dma2 semaphore(%arg11 : memref<!tpu.dma_semaphore, #tpu.memory_space<semaphore_mem>>) src(%arg8 : memref<4096xf32, #tpu.memory_space<vmem>>) dst(%dma_wait3A_93 : memref<4096xf32, #tpu.memory_space<hbm>>)
      %scan3A_94 = arith.constant 0 : i32
      %scan3A_95 = arith.constant 16 : i32
      %scan3A_96 = arith.addi %scan3A_94, %scan3A_95 : i32
      %scan3A_97 = arith.constant 1 : i32
      scf.for %scan3A_105 = %scan3A_94 to %scan3A_96 step %scan3A_97  : i32 {
        %mul3A_106 = arith.constant 16 : i32
        %mul3A_107 = arith.muli %scan3A_105, %mul3A_106 : i32
        %add3A_108 = arith.constant 0 : i32
        %add3A_109 = arith.addi %add3A_108, %mul3A_107 : i32
        %add3A_110 = arith.constant 0 : i32
        %add3A_111 = arith.addi %add3A_109, %add3A_110 : i32
        %mul3A_112 = arith.constant 16 : i32
        %mul3A_113 = arith.muli %add3A_111, %mul3A_112 : i32
        %add3A_114 = arith.constant 12288 : i32
        %add3A_115 = arith.addi %add3A_114, %mul3A_113 : i32
        %get3A = arith.index_cast %add3A_115 : i32 to index
        %get3A_116 = tpu.vector_load %arg5[%get3A] {strides = array<i32>} : memref<16384xi32, #tpu.memory_space<vmem>>, vector<16xi32>,
        %gather3A = tpu.vector_load_idx %arg6[%get3A_116] : memref<100000xf32, #tpu.memory_space<vmem>>[vector<16xi32>], vector<16xf32>,
        %add3A_117 = arith.constant 0 : i32
        %add3A_118 = arith.addi %add3A_109, %add3A_117 : i32
        %mul3A_119 = arith.constant 16 : i32
        %mul3A_120 = arith.muli %add3A_118, %mul3A_119 : i32
        %swap3A = arith.index_cast %mul3A_120 : i32 to index
        %swap3A_121 = tpu.vector_load %arg8[%swap3A] {strides = array<i32>} : memref<4096xf32, #tpu.memory_space<vmem>>, vector<16xf32>,
        tpu.vector_store %arg8[%swap3A], %gather3A {strides = array<i32>} : memref<4096xf32, #tpu.memory_space<vmem>>, vector<16xf32>,
        %add3A_122 = arith.constant 1 : i32
        %add3A_123 = arith.addi %add3A_109, %add3A_122 : i32
        %mul3A_124 = arith.constant 16 : i32
        %mul3A_125 = arith.muli %add3A_123, %mul3A_124 : i32
        %add3A_126 = arith.constant 12288 : i32
        %add3A_127 = arith.addi %add3A_126, %mul3A_125 : i32
        %get3A_128 = arith.index_cast %add3A_127 : i32 to index
        %get3A_129 = tpu.vector_load %arg5[%get3A_128] {strides = array<i32>} : memref<16384xi32, #tpu.memory_space<vmem>>, vector<16xi32>,
        %gather3A_130 = tpu.vector_load_idx %arg6[%get3A_129] : memref<100000xf32, #tpu.memory_space<vmem>>[vector<16xi32>], vector<16xf32>,
        %add3A_131 = arith.constant 1 : i32
        %add3A_132 = arith.addi %add3A_109, %add3A_131 : i32
        %mul3A_133 = arith.constant 16 : i32
        %mul3A_134 = arith.muli %add3A_132, %mul3A_133 : i32
        %swap3A_135 = arith.index_cast %mul3A_134 : i32 to index
        %swap3A_136 = tpu.vector_load %arg8[%swap3A_135] {strides = array<i32>} : memref<4096xf32, #tpu.memory_space<vmem>>, vector<16xf32>,
        tpu.vector_store %arg8[%swap3A_135], %gather3A_130 {strides = array<i32>} : memref<4096xf32, #tpu.memory_space<vmem>>, vector<16xf32>,
        %add3A_137 = arith.constant 2 : i32
        %add3A_138 = arith.addi %add3A_109, %add3A_137 : i32
        %mul3A_139 = arith.constant 16 : i32
        %mul3A_140 = arith.muli %add3A_138, %mul3A_139 : i32
        %add3A_141 = arith.constant 12288 : i32
        %add3A_142 = arith.addi %add3A_141, %mul3A_140 : i32
        %get3A_143 = arith.index_cast %add3A_142 : i32 to index
        %get3A_144 = tpu.vector_load %arg5[%get3A_143] {strides = array<i32>} : memref<16384xi32, #tpu.memory_space<vmem>>, vector<16xi32>,
        %gather3A_145 = tpu.vector_load_idx %arg6[%get3A_144] : memref<100000xf32, #tpu.memory_space<vmem>>[vector<16xi32>], vector<16xf32>,
        %add3A_146 = arith.constant 2 : i32
        %add3A_147 = arith.addi %add3A_109, %add3A_146 : i32
        %mul3A_148 = arith.constant 16 : i32
        %mul3A_149 = arith.muli %add3A_147, %mul3A_148 : i32
        %swap3A_150 = arith.index_cast %mul3A_149 : i32 to index
        %swap3A_151 = tpu.vector_load %arg8[%swap3A_150] {strides = array<i32>} : memref<4096xf32, #tpu.memory_space<vmem>>, vector<16xf32>,
        tpu.vector_store %arg8[%swap3A_150], %gather3A_145 {strides = array<i32>} : memref<4096xf32, #tpu.memory_space<vmem>>, vector<16xf32>,
        %add3A_152 = arith.constant 3 : i32
        %add3A_153 = arith.addi %add3A_109, %add3A_152 : i32
        %mul3A_154 = arith.constant 16 : i32
        %mul3A_155 = arith.muli %add3A_153, %mul3A_154 : i32
        %add3A_156 = arith.constant 12288 : i32
        %add3A_157 = arith.addi %add3A_156, %mul3A_155 : i32
        %get3A_158 = arith.index_cast %add3A_157 : i32 to index
        %get3A_159 = tpu.vector_load %arg5[%get3A_158] {strides = array<i32>} : memref<16384xi32, #tpu.memory_space<vmem>>, vector<16xi32>,
        %gather3A_160 = tpu.vector_load_idx %arg6[%get3A_159] : memref<100000xf32, #tpu.memory_space<vmem>>[vector<16xi32>], vector<16xf32>,
        %add3A_161 = arith.constant 3 : i32
        %add3A_162 = arith.addi %add3A_109, %add3A_161 : i32
        %mul3A_163 = arith.constant 16 : i32
        %mul3A_164 = arith.muli %add3A_162, %mul3A_163 : i32
        %swap3A_165 = arith.index_cast %mul3A_164 : i32 to index
        %swap3A_166 = tpu.vector_load %arg8[%swap3A_165] {strides = array<i32>} : memref<4096xf32, #tpu.memory_space<vmem>>, vector<16xf32>,
        tpu.vector_store %arg8[%swap3A_165], %gather3A_160 {strides = array<i32>} : memref<4096xf32, #tpu.memory_space<vmem>>, vector<16xf32>,
        %add3A_167 = arith.constant 4 : i32
        %add3A_168 = arith.addi %add3A_109, %add3A_167 : i32
        %mul3A_169 = arith.constant 16 : i32
        %mul3A_170 = arith.muli %add3A_168, %mul3A_169 : i32
        %add3A_171 = arith.constant 12288 : i32
        %add3A_172 = arith.addi %add3A_171, %mul3A_170 : i32
        %get3A_173 = arith.index_cast %add3A_172 : i32 to index
        %get3A_174 = tpu.vector_load %arg5[%get3A_173] {strides = array<i32>} : memref<16384xi32, #tpu.memory_space<vmem>>, vector<16xi32>,
        %gather3A_175 = tpu.vector_load_idx %arg6[%get3A_174] : memref<100000xf32, #tpu.memory_space<vmem>>[vector<16xi32>], vector<16xf32>,
        %add3A_176 = arith.constant 4 : i32
        %add3A_177 = arith.addi %add3A_109, %add3A_176 : i32
        %mul3A_178 = arith.constant 16 : i32
        %mul3A_179 = arith.muli %add3A_177, %mul3A_178 : i32
        %swap3A_180 = arith.index_cast %mul3A_179 : i32 to index
        %swap3A_181 = tpu.vector_load %arg8[%swap3A_180] {strides = array<i32>} : memref<4096xf32, #tpu.memory_space<vmem>>, vector<16xf32>,
        tpu.vector_store %arg8[%swap3A_180], %gather3A_175 {strides = array<i32>} : memref<4096xf32, #tpu.memory_space<vmem>>, vector<16xf32>,
        %add3A_182 = arith.constant 5 : i32
        %add3A_183 = arith.addi %add3A_109, %add3A_182 : i32
        %mul3A_184 = arith.constant 16 : i32
        %mul3A_185 = arith.muli %add3A_183, %mul3A_184 : i32
        %add3A_186 = arith.constant 12288 : i32
        %add3A_187 = arith.addi %add3A_186, %mul3A_185 : i32
        %get3A_188 = arith.index_cast %add3A_187 : i32 to index
        %get3A_189 = tpu.vector_load %arg5[%get3A_188] {strides = array<i32>} : memref<16384xi32, #tpu.memory_space<vmem>>, vector<16xi32>,
        %gather3A_190 = tpu.vector_load_idx %arg6[%get3A_189] : memref<100000xf32, #tpu.memory_space<vmem>>[vector<16xi32>], vector<16xf32>,
        %add3A_191 = arith.constant 5 : i32
        %add3A_192 = arith.addi %add3A_109, %add3A_191 : i32
        %mul3A_193 = arith.constant 16 : i32
        %mul3A_194 = arith.muli %add3A_192, %mul3A_193 : i32
        %swap3A_195 = arith.index_cast %mul3A_194 : i32 to index
        %swap3A_196 = tpu.vector_load %arg8[%swap3A_195] {strides = array<i32>} : memref<4096xf32, #tpu.memory_space<vmem>>, vector<16xf32>,
        tpu.vector_store %arg8[%swap3A_195], %gather3A_190 {strides = array<i32>} : memref<4096xf32, #tpu.memory_space<vmem>>, vector<16xf32>,
        %add3A_197 = arith.constant 6 : i32
        %add3A_198 = arith.addi %add3A_109, %add3A_197 : i32
        %mul3A_199 = arith.constant 16 : i32
        %mul3A_200 = arith.muli %add3A_198, %mul3A_199 : i32
        %add3A_201 = arith.constant 12288 : i32
        %add3A_202 = arith.addi %add3A_201, %mul3A_200 : i32
        %get3A_203 = arith.index_cast %add3A_202 : i32 to index
        %get3A_204 = tpu.vector_load %arg5[%get3A_203] {strides = array<i32>} : memref<16384xi32, #tpu.memory_space<vmem>>, vector<16xi32>,
        %gather3A_205 = tpu.vector_load_idx %arg6[%get3A_204] : memref<100000xf32, #tpu.memory_space<vmem>>[vector<16xi32>], vector<16xf32>,
        %add3A_206 = arith.constant 6 : i32
        %add3A_207 = arith.addi %add3A_109, %add3A_206 : i32
        %mul3A_208 = arith.constant 16 : i32
        %mul3A_209 = arith.muli %add3A_207, %mul3A_208 : i32
        %swap3A_210 = arith.index_cast %mul3A_209 : i32 to index
        %swap3A_211 = tpu.vector_load %arg8[%swap3A_210] {strides = array<i32>} : memref<4096xf32, #tpu.memory_space<vmem>>, vector<16xf32>,
        tpu.vector_store %arg8[%swap3A_210], %gather3A_205 {strides = array<i32>} : memref<4096xf32, #tpu.memory_space<vmem>>, vector<16xf32>,
        %add3A_212 = arith.constant 7 : i32
        %add3A_213 = arith.addi %add3A_109, %add3A_212 : i32
        %mul3A_214 = arith.constant 16 : i32
        %mul3A_215 = arith.muli %add3A_213, %mul3A_214 : i32
        %add3A_216 = arith.constant 12288 : i32
        %add3A_217 = arith.addi %add3A_216, %mul3A_215 : i32
        %get3A_218 = arith.index_cast %add3A_217 : i32 to index
        %get3A_219 = tpu.vector_load %arg5[%get3A_218] {strides = array<i32>} : memref<16384xi32, #tpu.memory_space<vmem>>, vector<16xi32>,
        %gather3A_220 = tpu.vector_load_idx %arg6[%get3A_219] : memref<100000xf32, #tpu.memory_space<vmem>>[vector<16xi32>], vector<16xf32>,
        %add3A_221 = arith.constant 7 : i32
        %add3A_222 = arith.addi %add3A_109, %add3A_221 : i32
        %mul3A_223 = arith.constant 16 : i32
        %mul3A_224 = arith.muli %add3A_222, %mul3A_223 : i32
        %swap3A_225 = arith.index_cast %mul3A_224 : i32 to index
        %swap3A_226 = tpu.vector_load %arg8[%swap3A_225] {strides = array<i32>} : memref<4096xf32, #tpu.memory_space<vmem>>, vector<16xf32>,
        tpu.vector_store %arg8[%swap3A_225], %gather3A_220 {strides = array<i32>} : memref<4096xf32, #tpu.memory_space<vmem>>, vector<16xf32>,
        %add3A_227 = arith.constant 8 : i32
        %add3A_228 = arith.addi %add3A_109, %add3A_227 : i32
        %mul3A_229 = arith.constant 16 : i32
        %mul3A_230 = arith.muli %add3A_228, %mul3A_229 : i32
        %add3A_231 = arith.constant 12288 : i32
        %add3A_232 = arith.addi %add3A_231, %mul3A_230 : i32
        %get3A_233 = arith.index_cast %add3A_232 : i32 to index
        %get3A_234 = tpu.vector_load %arg5[%get3A_233] {strides = array<i32>} : memref<16384xi32, #tpu.memory_space<vmem>>, vector<16xi32>,
        %gather3A_235 = tpu.vector_load_idx %arg6[%get3A_234] : memref<100000xf32, #tpu.memory_space<vmem>>[vector<16xi32>], vector<16xf32>,
        %add3A_236 = arith.constant 8 : i32
        %add3A_237 = arith.addi %add3A_109, %add3A_236 : i32
        %mul3A_238 = arith.constant 16 : i32
        %mul3A_239 = arith.muli %add3A_237, %mul3A_238 : i32
        %swap3A_240 = arith.index_cast %mul3A_239 : i32 to index
        %swap3A_241 = tpu.vector_load %arg8[%swap3A_240] {strides = array<i32>} : memref<4096xf32, #tpu.memory_space<vmem>>, vector<16xf32>,
        tpu.vector_store %arg8[%swap3A_240], %gather3A_235 {strides = array<i32>} : memref<4096xf32, #tpu.memory_space<vmem>>, vector<16xf32>,
        %add3A_242 = arith.constant 9 : i32
        %add3A_243 = arith.addi %add3A_109, %add3A_242 : i32
        %mul3A_244 = arith.constant 16 : i32
        %mul3A_245 = arith.muli %add3A_243, %mul3A_244 : i32
        %add3A_246 = arith.constant 12288 : i32
        %add3A_247 = arith.addi %add3A_246, %mul3A_245 : i32
        %get3A_248 = arith.index_cast %add3A_247 : i32 to index
        %get3A_249 = tpu.vector_load %arg5[%get3A_248] {strides = array<i32>} : memref<16384xi32, #tpu.memory_space<vmem>>, vector<16xi32>,
        %gather3A_250 = tpu.vector_load_idx %arg6[%get3A_249] : memref<100000xf32, #tpu.memory_space<vmem>>[vector<16xi32>], vector<16xf32>,
        %add3A_251 = arith.constant 9 : i32
        %add3A_252 = arith.addi %add3A_109, %add3A_251 : i32
        %mul3A_253 = arith.constant 16 : i32
        %mul3A_254 = arith.muli %add3A_252, %mul3A_253 : i32
        %swap3A_255 = arith.index_cast %mul3A_254 : i32 to index
        %swap3A_256 = tpu.vector_load %arg8[%swap3A_255] {strides = array<i32>} : memref<4096xf32, #tpu.memory_space<vmem>>, vector<16xf32>,
        tpu.vector_store %arg8[%swap3A_255], %gather3A_250 {strides = array<i32>} : memref<4096xf32, #tpu.memory_space<vmem>>, vector<16xf32>,
        %add3A_257 = arith.constant 10 : i32
        %add3A_258 = arith.addi %add3A_109, %add3A_257 : i32
        %mul3A_259 = arith.constant 16 : i32
        %mul3A_260 = arith.muli %add3A_258, %mul3A_259 : i32
        %add3A_261 = arith.constant 12288 : i32
        %add3A_262 = arith.addi %add3A_261, %mul3A_260 : i32
        %get3A_263 = arith.index_cast %add3A_262 : i32 to index
        %get3A_264 = tpu.vector_load %arg5[%get3A_263] {strides = array<i32>} : memref<16384xi32, #tpu.memory_space<vmem>>, vector<16xi32>,
        %gather3A_265 = tpu.vector_load_idx %arg6[%get3A_264] : memref<100000xf32, #tpu.memory_space<vmem>>[vector<16xi32>], vector<16xf32>,
        %add3A_266 = arith.constant 10 : i32
        %add3A_267 = arith.addi %add3A_109, %add3A_266 : i32
        %mul3A_268 = arith.constant 16 : i32
        %mul3A_269 = arith.muli %add3A_267, %mul3A_268 : i32
        %swap3A_270 = arith.index_cast %mul3A_269 : i32 to index
        %swap3A_271 = tpu.vector_load %arg8[%swap3A_270] {strides = array<i32>} : memref<4096xf32, #tpu.memory_space<vmem>>, vector<16xf32>,
        tpu.vector_store %arg8[%swap3A_270], %gather3A_265 {strides = array<i32>} : memref<4096xf32, #tpu.memory_space<vmem>>, vector<16xf32>,
        %add3A_272 = arith.constant 11 : i32
        %add3A_273 = arith.addi %add3A_109, %add3A_272 : i32
        %mul3A_274 = arith.constant 16 : i32
        %mul3A_275 = arith.muli %add3A_273, %mul3A_274 : i32
        %add3A_276 = arith.constant 12288 : i32
        %add3A_277 = arith.addi %add3A_276, %mul3A_275 : i32
        %get3A_278 = arith.index_cast %add3A_277 : i32 to index
        %get3A_279 = tpu.vector_load %arg5[%get3A_278] {strides = array<i32>} : memref<16384xi32, #tpu.memory_space<vmem>>, vector<16xi32>,
        %gather3A_280 = tpu.vector_load_idx %arg6[%get3A_279] : memref<100000xf32, #tpu.memory_space<vmem>>[vector<16xi32>], vector<16xf32>,
        %add3A_281 = arith.constant 11 : i32
        %add3A_282 = arith.addi %add3A_109, %add3A_281 : i32
        %mul3A_283 = arith.constant 16 : i32
        %mul3A_284 = arith.muli %add3A_282, %mul3A_283 : i32
        %swap3A_285 = arith.index_cast %mul3A_284 : i32 to index
        %swap3A_286 = tpu.vector_load %arg8[%swap3A_285] {strides = array<i32>} : memref<4096xf32, #tpu.memory_space<vmem>>, vector<16xf32>,
        tpu.vector_store %arg8[%swap3A_285], %gather3A_280 {strides = array<i32>} : memref<4096xf32, #tpu.memory_space<vmem>>, vector<16xf32>,
        %add3A_287 = arith.constant 12 : i32
        %add3A_288 = arith.addi %add3A_109, %add3A_287 : i32
        %mul3A_289 = arith.constant 16 : i32
        %mul3A_290 = arith.muli %add3A_288, %mul3A_289 : i32
        %add3A_291 = arith.constant 12288 : i32
        %add3A_292 = arith.addi %add3A_291, %mul3A_290 : i32
        %get3A_293 = arith.index_cast %add3A_292 : i32 to index
        %get3A_294 = tpu.vector_load %arg5[%get3A_293] {strides = array<i32>} : memref<16384xi32, #tpu.memory_space<vmem>>, vector<16xi32>,
        %gather3A_295 = tpu.vector_load_idx %arg6[%get3A_294] : memref<100000xf32, #tpu.memory_space<vmem>>[vector<16xi32>], vector<16xf32>,
        %add3A_296 = arith.constant 12 : i32
        %add3A_297 = arith.addi %add3A_109, %add3A_296 : i32
        %mul3A_298 = arith.constant 16 : i32
        %mul3A_299 = arith.muli %add3A_297, %mul3A_298 : i32
        %swap3A_300 = arith.index_cast %mul3A_299 : i32 to index
        %swap3A_301 = tpu.vector_load %arg8[%swap3A_300] {strides = array<i32>} : memref<4096xf32, #tpu.memory_space<vmem>>, vector<16xf32>,
        tpu.vector_store %arg8[%swap3A_300], %gather3A_295 {strides = array<i32>} : memref<4096xf32, #tpu.memory_space<vmem>>, vector<16xf32>,
        %add3A_302 = arith.constant 13 : i32
        %add3A_303 = arith.addi %add3A_109, %add3A_302 : i32
        %mul3A_304 = arith.constant 16 : i32
        %mul3A_305 = arith.muli %add3A_303, %mul3A_304 : i32
        %add3A_306 = arith.constant 12288 : i32
        %add3A_307 = arith.addi %add3A_306, %mul3A_305 : i32
        %get3A_308 = arith.index_cast %add3A_307 : i32 to index
        %get3A_309 = tpu.vector_load %arg5[%get3A_308] {strides = array<i32>} : memref<16384xi32, #tpu.memory_space<vmem>>, vector<16xi32>,
        %gather3A_310 = tpu.vector_load_idx %arg6[%get3A_309] : memref<100000xf32, #tpu.memory_space<vmem>>[vector<16xi32>], vector<16xf32>,
        %add3A_311 = arith.constant 13 : i32
        %add3A_312 = arith.addi %add3A_109, %add3A_311 : i32
        %mul3A_313 = arith.constant 16 : i32
        %mul3A_314 = arith.muli %add3A_312, %mul3A_313 : i32
        %swap3A_315 = arith.index_cast %mul3A_314 : i32 to index
        %swap3A_316 = tpu.vector_load %arg8[%swap3A_315] {strides = array<i32>} : memref<4096xf32, #tpu.memory_space<vmem>>, vector<16xf32>,
        tpu.vector_store %arg8[%swap3A_315], %gather3A_310 {strides = array<i32>} : memref<4096xf32, #tpu.memory_space<vmem>>, vector<16xf32>,
        %add3A_317 = arith.constant 14 : i32
        %add3A_318 = arith.addi %add3A_109, %add3A_317 : i32
        %mul3A_319 = arith.constant 16 : i32
        %mul3A_320 = arith.muli %add3A_318, %mul3A_319 : i32
        %add3A_321 = arith.constant 12288 : i32
        %add3A_322 = arith.addi %add3A_321, %mul3A_320 : i32
        %get3A_323 = arith.index_cast %add3A_322 : i32 to index
        %get3A_324 = tpu.vector_load %arg5[%get3A_323] {strides = array<i32>} : memref<16384xi32, #tpu.memory_space<vmem>>, vector<16xi32>,
        %gather3A_325 = tpu.vector_load_idx %arg6[%get3A_324] : memref<100000xf32, #tpu.memory_space<vmem>>[vector<16xi32>], vector<16xf32>,
        %add3A_326 = arith.constant 14 : i32
        %add3A_327 = arith.addi %add3A_109, %add3A_326 : i32
        %mul3A_328 = arith.constant 16 : i32
        %mul3A_329 = arith.muli %add3A_327, %mul3A_328 : i32
        %swap3A_330 = arith.index_cast %mul3A_329 : i32 to index
        %swap3A_331 = tpu.vector_load %arg8[%swap3A_330] {strides = array<i32>} : memref<4096xf32, #tpu.memory_space<vmem>>, vector<16xf32>,
        tpu.vector_store %arg8[%swap3A_330], %gather3A_325 {strides = array<i32>} : memref<4096xf32, #tpu.memory_space<vmem>>, vector<16xf32>,
        %add3A_332 = arith.constant 15 : i32
        %add3A_333 = arith.addi %add3A_109, %add3A_332 : i32
        %mul3A_334 = arith.constant 16 : i32
        %mul3A_335 = arith.muli %add3A_333, %mul3A_334 : i32
        %add3A_336 = arith.constant 12288 : i32
        %add3A_337 = arith.addi %add3A_336, %mul3A_335 : i32
        %get3A_338 = arith.index_cast %add3A_337 : i32 to index
        %get3A_339 = tpu.vector_load %arg5[%get3A_338] {strides = array<i32>} : memref<16384xi32, #tpu.memory_space<vmem>>, vector<16xi32>,
        %gather3A_340 = tpu.vector_load_idx %arg6[%get3A_339] : memref<100000xf32, #tpu.memory_space<vmem>>[vector<16xi32>], vector<16xf32>,
        %add3A_341 = arith.constant 15 : i32
        %add3A_342 = arith.addi %add3A_109, %add3A_341 : i32
        %mul3A_343 = arith.constant 16 : i32
        %mul3A_344 = arith.muli %add3A_342, %mul3A_343 : i32
        %swap3A_345 = arith.index_cast %mul3A_344 : i32 to index
        %swap3A_346 = tpu.vector_load %arg8[%swap3A_345] {strides = array<i32>} : memref<4096xf32, #tpu.memory_space<vmem>>, vector<16xf32>,
        tpu.vector_store %arg8[%swap3A_345], %gather3A_340 {strides = array<i32>} : memref<4096xf32, #tpu.memory_space<vmem>>, vector<16xf32>,
      }
      %scan3A_98 = arith.constant 16 : i32
      %dma_start3A_99 = arith.constant 12288 : i32
      %dma_start3A_100 = tpu.memref_slice %arg4[%add3A_22, %arg1, %dma_start3A_99] : memref<16x16x16384xf32, #tpu.memory_space<hbm>> -> memref<1x1x4096xf32, #tpu.memory_space<hbm>>
      %dma_start3A_101 = tpu.memref_squeeze %dma_start3A_100 : memref<1x1x4096xf32, #tpu.memory_space<hbm>> -> memref<4096xf32, #tpu.memory_space<hbm>>
      %dma_start3A_102 = arith.constant 12288 : i32
      %dma_start3A_103 = tpu.memref_slice %arg4[%add3A_22, %arg1, %dma_start3A_102] : memref<16x16x16384xf32, #tpu.memory_space<hbm>> -> memref<1x1x4096xf32, #tpu.memory_space<hbm>>
      %dma_start3A_104 = tpu.memref_squeeze %dma_start3A_103 : memref<1x1x4096xf32, #tpu.memory_space<hbm>> -> memref<4096xf32, #tpu.memory_space<hbm>>
      tpu.enqueue_dma source(%arg8 : memref<4096xf32, #tpu.memory_space<vmem>>) target(%dma_start3A_104 : memref<4096xf32, #tpu.memory_space<hbm>>) target_semaphore(%arg11 : memref<!tpu.dma_semaphore, #tpu.memory_space<semaphore_mem>>)
    }
    %scan3A_3 = arith.constant 8 : i32
    %dma_wait3A = arith.constant 0 : i32
    %dma_wait3A_4 = arith.constant 0 : i32
    %dma_wait3A_5 = tpu.memref_slice %arg4[%dma_wait3A, %arg1, %dma_wait3A_4] : memref<16x16x16384xf32, #tpu.memory_space<hbm>> -> memref<1x1x4096xf32, #tpu.memory_space<hbm>>
    %dma_wait3A_6 = tpu.memref_squeeze %dma_wait3A_5 : memref<1x1x4096xf32, #tpu.memory_space<hbm>> -> memref<4096xf32, #tpu.memory_space<hbm>>
    %dma_wait3A_7 = arith.constant 0 : i32
    %dma_wait3A_8 = tpu.memref_slice %arg4[%dma_wait3A, %arg1, %dma_wait3A_7] : memref<16x16x16384xf32, #tpu.memory_space<hbm>> -> memref<1x1x4096xf32, #tpu.memory_space<hbm>>
    %dma_wait3A_9 = tpu.memref_squeeze %dma_wait3A_8 : memref<1x1x4096xf32, #tpu.memory_space<hbm>> -> memref<4096xf32, #tpu.memory_space<hbm>>
    tpu.wait_dma2 semaphore(%arg10 : memref<!tpu.dma_semaphore, #tpu.memory_space<semaphore_mem>>) src(%arg7 : memref<4096xf32, #tpu.memory_space<vmem>>) dst(%dma_wait3A_9 : memref<4096xf32, #tpu.memory_space<hbm>>)
    %dma_wait3A_10 = arith.constant 0 : i32
    %dma_wait3A_11 = arith.constant 0 : i32
    %dma_wait3A_12 = tpu.memref_slice %arg4[%dma_wait3A_10, %arg1, %dma_wait3A_11] : memref<16x16x16384xf32, #tpu.memory_space<hbm>> -> memref<1x1x4096xf32, #tpu.memory_space<hbm>>
    %dma_wait3A_13 = tpu.memref_squeeze %dma_wait3A_12 : memref<1x1x4096xf32, #tpu.memory_space<hbm>> -> memref<4096xf32, #tpu.memory_space<hbm>>
    %dma_wait3A_14 = arith.constant 0 : i32
    %dma_wait3A_15 = tpu.memref_slice %arg4[%dma_wait3A_10, %arg1, %dma_wait3A_14] : memref<16x16x16384xf32, #tpu.memory_space<hbm>> -> memref<1x1x4096xf32, #tpu.memory_space<hbm>>
    %dma_wait3A_16 = tpu.memref_squeeze %dma_wait3A_15 : memref<1x1x4096xf32, #tpu.memory_space<hbm>> -> memref<4096xf32, #tpu.memory_space<hbm>>
    tpu.wait_dma2 semaphore(%arg11 : memref<!tpu.dma_semaphore, #tpu.memory_space<semaphore_mem>>) src(%arg8 : memref<4096xf32, #tpu.memory_space<vmem>>) dst(%dma_wait3A_16 : memref<4096xf32, #tpu.memory_space<hbm>>)
    return
  }
}

</mosaic_0001>

<sc_bundles>
// kernel: kernel.3.cloned.1.call-start
scs
__scs_entry_jumppad:
0x0: {  	(pc) =	sbr.rel $0x88, $3  }
0x1: {  	(tag) =	ssettag $0x0;
	lr =	simm.s32 $0x1  }
0x2: {  	[smem:$0x3F9F] =	sst lr;
	_ =	strace $0xD0000000  }
0x3: {  	_ = 	snop  }
0x4: {  	_ = 	snop  }
0x5: {  	_ = 	snop  }
0x6: {  	_ = 	snop  }
0x7: {  	_ = 	snop  }
__scs_overlays_trampoline_lowered:
0x8: {  	[smem:$0x3FAE] =	sst s0  }
0x9: {  	[smem:$0x3FAF] =	sst s1  }
0xa: {  	[smem:$0x3FB0] =	sst s2  }
0xb: {  	[smem:$0x3FB1] =	sst s3  }
0xc: {  	[smem:$0x3FB2] =	sst s4  }
0xd: {  	[smem:$0x3FB3] =	sst s5  }
0xe: {  	[smem:$0x3FB4] =	sst s6  }
0xf: {  	[smem:$0x3FB5] =	sst s7  }
0x10: {  	[smem:$0x3FB6] =	sst s8  }
0x11: {  	[smem:$0x3FB7] =	sst s9;
	s0 =	simm.s32 @!p0 $0x0  }
0x12: {  	s1 =	sld [smem:$0x3F9D];
	s0 =	simm.s32 @p0 $0x1  }
0x13: {  	[smem:$0x3FB8] =	sst s0;
	s0 =	simm.s32 @!p1 $0x0  }
0x14: {  	s2 =	sld [smem:$0x3F9C];
	s0 =	simm.s32 @p1 $0x1  }
0x15: {  	[smem:$0x3FB9] =	sst s0;
	s0 =	simm.s32 @!p2 $0x0  }
0x16: {  	s3 =	sld [smem:$0x3FDB];
	s0 =	simm.s32 @p2 $0x1  }
0x17: {  	s4 =	simm.s32 $0x1BF5;
	[smem:$0x3FBB] =	sst s0  }
0x18: {  	s0 =	sld [smem:$0x3F9E];
	_ =	swait.ge [sflag:s4], $0x0  }
0x19: {  	s7 =	sld [smem:$0x3F9F]  }
0x1a: {  	s8 =	sadd.s32 $0xFFFFE003, lr  }
0x1b: {  	s9 =	sadd.s32 $0xFFFFFEF7, lr;
	s5 =	simm.s32 $0xFFFFFFFF;
	p2 =	slt.u32 s8, $0xFFFFF086  }
0x1c: {  	p1 =	slt.u32 s9, $0xF7A;
	s5 =	simm.s32 @!p2 $0x0  }
0x1d: {  	s5 =	simm.s32 @p1 $0x1;
	p0 =	seq.s32 s7, s2  }
0x1e: {  	s7 =	smul.u32 @!p0 $0xF7A, s2;
	p2 =	seq.s32 @!p0 s5, $0x0  }
0x1f: {  	s9 =	smul.u32 $0xF7A, s1;
	s8 =	simm.s32 @!p0 $0x1BF5;
	p2 =	por !p2, p0  }
0x20: {  	[sflag:s8] =	ssyncset.s32 @!p0 $0xFFFFF086;
	s6 =	sadd.s32 @!p0 s3, s7;
	s7 =	simm.s32 @!p0 $0x108  }
0x21: {  	s3 =	sadd.s32 s3, s9;
	s6 =	sadd.s32 @!p0 $0x88, s6;
	s7 =	simm.s32 @p2 $0x1082  }
0x22: {  	[simem:s7], [sflag:s8] =	dma.local @!p0 [hbm:s6], $0xF7A  }
0x23: {  	s9 =	sor.u32 $0xD0000000, s2;
	s6 =	simm.s32 $0x108;
	_ =	swait.ge @!p0 [sflag:s8], $0x0  }
0x24: {  	s3 =	sadd.s32 $0x88, s3;
	s6 =	simm.s32 @!p1 $0x1082;
	[sflag:s4] =	ssyncset.s32 $0xFFFFF086  }
0x25: {  	[simem:s6], [sflag:s4] =	dma.local [hbm:s3], $0xF7A  }
0x26: {  	[smem:$0x3F9F] =	sst s1;
	(tag) =	ssettag s2;
	_ =	strace s9  }
0x27: {  	s1 =	sld [smem:$0x3FAF]  }
0x28: {  	s2 =	sld [smem:$0x3FB0]  }
0x29: {  	s4 =	sld [smem:$0x3FB2]  }
0x2a: {  	p0 =	seq.s32 s5, $0x0;
	s5 =	sld [smem:$0x3FB3]  }
0x2b: {  	s6 =	sld [smem:$0x3FB4]  }
0x2c: {  	s7 =	sld [smem:$0x3FB5]  }
0x2d: {  	s3 =	simm.s32 $0x108;
	s8 =	sld [smem:$0x3FB6]  }
0x2e: {  	s3 =	simm.s32 @!p0 $0x1082;
	s9 =	sld [smem:$0x3FB7]  }
0x2f: {  	lr =	sadd.s32 s0, s3;
	s0 =	sld [smem:$0x3FAE]  }
0x30: {  	s3 =	sld [smem:$0x3FB1]  }
0x31: {  	[smem:$0x3FBA] =	sst s10  }
0x32: {  	s10 =	sld [smem:$0x3FB8];
	_ =	sdelay $0x3  }
0x33: {  	p0 =	seq.s32 s10, $0x1;
	s10 =	sld [smem:$0x3FBA];
	_ =	sdelay $0x3  }
0x34: {  	[smem:$0x3FBA] =	sst s10  }
0x35: {  	s10 =	sld [smem:$0x3FB9];
	_ =	sdelay $0x3  }
0x36: {  	p1 =	seq.s32 s10, $0x1;
	s10 =	sld [smem:$0x3FBA];
	_ =	sdelay $0x3  }
0x37: {  	[smem:$0x3FBA] =	sst s10  }
0x38: {  	s10 =	sld [smem:$0x3FBB]  }
0x39: {  	_ = 	snop;
	(pc) =	sbr.ind lr, $3  }
0x3a: {  	_ = 	snop  }
0x3b: {  	_ = 	snop  }
0x3c: {  	p2 =	seq.s32 s10, $0x1;
	s10 =	sld [smem:$0x3FBA]  }
0x3d: {  	_ =	shalt  }
0x3e: {  	_ =	shalt  }
0x3f: {  	_ =	shalt  }
0x40: {  	_ =	shalt  }
0x41: {  	_ =	shalt  }
0x42: {  	_ =	shalt  }
0x43: {  	_ =	shalt  }
0x44: {  	_ =	shalt  }
0x45: {  	_ =	shalt  }
0x46: {  	_ =	shalt  }
0x47: {  	_ =	shalt  }
0x48: {  	_ =	shalt  }
0x49: {  	_ =	shalt  }
0x4a: {  	_ =	shalt  }
0x4b: {  	_ =	shalt  }
0x4c: {  	_ =	shalt  }
0x4d: {  	_ =	shalt  }
0x4e: {  	_ =	shalt  }
0x4f: {  	_ =	shalt  }
0x50: {  	_ =	shalt  }
0x51: {  	_ =	shalt  }
0x52: {  	_ =	shalt  }
0x53: {  	_ =	shalt  }
0x54: {  	_ =	shalt  }
0x55: {  	_ =	shalt  }
0x56: {  	_ =	shalt  }
0x57: {  	_ =	shalt  }
0x58: {  	_ =	shalt  }
0x59: {  	_ =	shalt  }
0x5a: {  	_ =	shalt  }
0x5b: {  	_ =	shalt  }
0x5c: {  	_ =	shalt  }
0x5d: {  	_ =	shalt  }
0x5e: {  	_ =	shalt  }
0x5f: {  	_ =	shalt  }
0x60: {  	_ =	shalt  }
0x61: {  	_ =	shalt  }
0x62: {  	_ =	shalt  }
0x63: {  	_ =	shalt  }
0x64: {  	_ =	shalt  }
0x65: {  	_ =	shalt  }
0x66: {  	_ =	shalt  }
0x67: {  	_ =	shalt  }
0x68: {  	_ =	shalt  }
0x69: {  	_ =	shalt  }
0x6a: {  	_ =	shalt  }
0x6b: {  	_ =	shalt  }
0x6c: {  	_ =	shalt  }
0x6d: {  	_ =	shalt  }
0x6e: {  	_ =	shalt  }
0x6f: {  	_ =	shalt  }
0x70: {  	_ =	shalt  }
0x71: {  	_ =	shalt  }
0x72: {  	_ =	shalt  }
0x73: {  	_ =	shalt  }
0x74: {  	_ =	shalt  }
0x75: {  	_ =	shalt  }
0x76: {  	_ =	shalt  }
0x77: {  	_ =	shalt  }
0x78: {  	_ =	shalt  }
0x79: {  	_ =	shalt  }
0x7a: {  	_ =	shalt  }
0x7b: {  	_ =	shalt  }
0x7c: {  	_ =	shalt  }
0x7d: {  	_ =	shalt  }
0x7e: {  	_ =	shalt  }
0x7f: {  	_ =	shalt  }
0x80: {  	_ =	shalt  }
0x81: {  	_ =	shalt  }
0x82: {  	_ =	shalt  }
0x83: {  	_ =	shalt  }
0x84: {  	_ =	shalt  }
0x85: {  	_ =	shalt  }
0x86: {  	_ =	shalt  }
0x87: {  	_ =	shalt  }
.Lfunc_end0:
.L_simem_size_0:
called_computation_lowered:
.L_overlay_start_0:
0x88: {  	s2 =	sld [smem:$0x3FD9]  }
0x89: {  	s3 =	sld [smem:$0x3FFE];
	_ =	sdelay $0x1  }
0x8a: {  	s1 =	srdreg.scid  }
0x8b: {  	s0 =	sand.u32 $0x1, s1  }
0x8c: {  	s18 =	sshll.u32 s0, $0xA;
	s2 =	sadd.s32 s3, s2  }
0x8d: {  	s2 =	sadd.s32 s2, s18  }
0x8e: {  	[smem:$0x3FC6] =	sst s2  }
0x8f: {  	_ = 	snop  }
0x90: {  	s2 =	sld [smem:$0x3FC9]  }
0x91: {  	s19 =	sld [smem:$0x3FC8]  }
0x92: {  	s4 =	sld [smem:$0x3FD0];
	(tm) =	ssettm $0x1  }
0x93: {  	s5 =	sld [smem:$0x3FFB];
	_ =	sdelay $0x3  }
0x94: {  	_ =	strace s5  }
0x95: {  	s5 =	sld [smem:$0x3FFC];
	_ =	sdelay $0x3  }
0x96: {  	_ =	strace s5  }
0x97: {  	s5 =	sld [smem:$0x3FFD];
	_ =	sdelay $0x3  }
0x98: {  	_ =	strace s5  }
0x99: {  	_ =	strace $0x8FFFFFFF  }
0x9a: {  	s20 =	sld [smem:$0x3FDB];
	_ =	sdelay $0x1  }
0x9b: {  	s6 =	simm.s32 $_scs_section_size  }
0x9c: {  	s7 =	simm.s32 $_size__tile_overlayer_lowered;
	s8 =	simm.s32 $_tile_overlayer_lowered  }
0x9d: {  	s23 =	simm.s32 $0x1BFF;
	s22 =	sshll.u32 s8, $0x1;
	s5 =	sadd.s32 s6, s20  }
0x9e: {  	s9 =	simm.s32 $0x0;
	s21 =	sshll.u32 s7, $0x1;
	s7 =	sadd.s32 s22, s5  }
0x9f: {  	[timem:s9], [sflag:s23] =	dma.local [hbm:s7], s21  }
0xa0: {  	_ =	swait.ge [sflag:s23], s21  }
0xa1: {  	s6 =	ssub.s32 $0x0, s21;
	[sflag:s23] =	ssyncset.done $0x0  }
0xa2: {  	[sflag:s23] =	ssyncadd.s32 s6;
	_ =	sdelay $0x1  }
0xa3: {  	s24 =	simm.s32 $0x1B8B  }
0xa4: {  	_ =	swait.ge [sflag:s24], $0x1  }
0xa5: {  	[sflag:s24] =	ssyncset.done $0x0  }
0xa6: {  	s25 =	simm.s32 $0x1B8E;
	[sflag:s24] =	ssyncadd.s32 $0xFFFFFFFF  }
0xa7: {  	s26 =	simm.s32 $execute0_lowered;
	[smem:$0x3FD2] =	sst s25  }
0xa8: {  	s6 =	sshll.u32 s26, $0x1;
	_ =	strace $0x80000046;
	[dreg:$0x1] =	wrdreg $0xFFFFFFFF  }
0xa9: {  	s28 =	simm.s32 $_size_execute0_lowered;
	s5 =	sadd.s32 s5, s6;
	[dreg:$0x0] =	wrdreg $0x0  }
0xaa: {  	s6 =	sshll.u32 s28, $0x1;
	[dreg:$0x2] =	wrdreg s5  }
0xab: {  	[dreg:$0x3] =	wrdreg s6  }
0xac: {  	[dreg:$0x4] =	wrdreg $0xC0  }
0xad: {  	_ =	task [dreg:s9], $0x5FFFF  }
0xae: {  	[dreg:$0x1] =	wrdreg $0xFFFFFFFF  }
0xaf: {  	[dreg:$0x0] =	wrdreg $0x60  }
0xb0: {  	[dreg:$0x2] =	wrdreg s19  }
0xb1: {  	[dreg:$0x3] =	wrdreg s2  }
0xb2: {  	[dreg:$0x4] =	wrdreg s4  }
0xb3: {  	[dreg:$0x5] =	wrdreg $0x9  }
0xb4: {  	_ =	task.clear_ibuf [dreg:s9], $0x6FFFF;
	_ =	strace $0x90000046  }
0xb5: {  	s29 =	simm.s32 $0x9;
	_ =	strace $0x80000048  }
0xb6: {  	_ =	swait.ge [sflag:s29], $0x1  }
0xb7: {  	[sflag:s29] =	ssyncadd.s32 $0xFFFFFFFF  }
0xb8: {  	_ =	strace $0x90000048  }
0xb9: {  	_ =	sfence  }
0xba: {  	s30 =	sld [smem:$0x0];
	_ =	sdelay $0x2  }
0xbb: {  	s31 =	sshll.u32 s1, $0xD;
	s1 =	sshrl.u32 s1, $0x2  }
0xbc: {  	s3 =	sand.u32 $0x4000, s31;
	s1 =	sadd.s32 s1, s30  }
0xbd: {  	s0 =	sor.u32 s3, s0;
	s1 =	sshll.u32 s1, $0x11  }
0xbe: {  	s0 =	sor.u32 s1, s0  }
0xbf: {  	s0 =	sadd.s32 $0x8F2B, s0  }
0xc0: {  	[sflag:s0] =	ssyncadd.remote.s32 $0x1  }
0xc1: {  	_ =	sfence.sel $0xFFFF  }
0xc2: {  	[dreg:$0x0] =	wrdreg $0xFFFFFFFF;
	(pc) =	sbr.abs _section_cstart, $3  }
0xc3: {  	[dreg:$0x1] =	wrdreg $0xFFFFFFFF  }
0xc4: {  	_ =	task.clear_ibuf [dreg:s9], $0x2FFFF;
	_ =	strace $0x9FFFFFFF  }
0xc5: {  	(tm) =	ssettm $0x7FFFFFFF  }
tec
execute0_lowered:
.L_overlay_start_1:
0x0: {  	(tag) =	ssettag $0x1  }
0x1: {  	s1 =	rddreg [dreg:$0x0]  }
0x2: {  	s2 =	rddreg [dreg:$0x1]  }
0x3: {  	s4 =	rddreg [dreg:$0x2]  }
0x4: {  	s0 =	rddreg [dreg:$0x3]  }
0x5: {  	s5 =	simm.s32 $0x0;
	s6 =	srdreg.scid;
	s3 =	stileid.u32  }
0x6: {  	s14 =	simm.s32 $0x4;
	s15 =	simm.s32 $0x80;
	s16 =	simm.s32 $0x400  }
0x7: {  	s17 =	simm.s32 $0x4000;
	s18 =	simm.s32 $0x1;
	s19 =	simm.s32 $0x1C700  }
0x8: {  	s20 =	simm.s32 $0x1D700;
	s21 =	simm.s32 $0x2;
	s22 =	simm.s32 $0x3  }
0x9: {  	s23 =	simm.s32 $0x0;
	[smem:$0x7FF] =	sst s5;
	s7 =	sand.u32 $0x1, s6  }
0xa: {  	s9 =	sshrl.u32 s3, $0x3;
	s31 =	sshll.u32 s3, $0x7;
	s12 =	sadd.s32 $0x3000, s4  }
0xb: {  	s8 =	ssub.s32 $0x2, s7;
	s10 =	smul.u32 $0xC3800, s9;
	_ =	strace $0x80000047  }
0xc: {  	s6 =	sand.u32 $0x380, s31;
	s7 =	sshll.u32 s7, $0x3;
	s11 =	sshrl.u32 s8, $0x1  }
0xd: {  	s9 =	sshll.u32 s9, $0x11;
	s13 =	ssub.s32 s8, s11;
	s8 =	sor.u32 s6, s10  }
0xe: {  	s10 =	sadd.s32 $0x1000, s4;
	s11 =	sadd.s32 $0x2000, s4;
	s13 =	smax.u32 s13, $0x1  }
.LBB2_1:
0xf: {  	[tilespmem:s5], [sflag:$0x4] =	stream.linear.gather [hbm4b:s2+s5], $0x4000, $0x38;
	[tilespmem:$0x1E700] =	vst v63  }
0x10: {  	_ =	swait.ge [sflag:s14], $0x4000  }
0x11: {  	[sflag:s14] =	ssyncset.done $0x0  }
0x12: {  	s24 =	simm.s32 $0x0;
	[sflag:s14] =	ssyncadd.s32 $0xFFFFC000  }
.LBB2_2:
0x13: {  	s25 =	sadd.s32 s7, s24  }
0x14: {  	s26 =	smul.u32 $0x187000, s25;
	_ =	sdelay $0x1  }
0x15: {  	s26 =	sadd.s32 s8, s26  }
0x16: {  	s26 =	sshrl.u32 s26, $0x3  }
0x17: {  	s26 =	sadd.s32 s1, s26  }
0x18: {  	[tilespmem:s17], [sflag:$0x1] =	stream.strided.gather [hbm4b:s26+s15], $0x18700, s16, s15, $0x38;
	[tilespmem:$0x1E700] =	vst v63  }
0x19: {  	_ =	swait.ge [sflag:s18], $0x18700  }
0x1a: {  	p0 =	seq.s32 s24, $0x0;
	[sflag:s18] =	ssyncset.done $0x0  }
0x1b: {  	s26 =	simm.s32 @!p0 $0x2;
	[sflag:s18] =	ssyncadd.s32 $0xFFFE7900  }
0x1c: {  	_ =	swait.ge @!p0 [sflag:s26], $0x1000  }
0x1d: {  	[sflag:s26] =	ssyncset.done @!p0 $0x0  }
0x1e: {  	[sflag:s26] =	ssyncadd.s32 @!p0 $0xFFFFF000;
	s26 =	simm.s32 $0x0  }
0x1f: {  	v0 =	vld [tilespmem:s26+$0x0];
	_ =	sdelay $0x5  }
0x20: {  	v1 =	vld [tilespmem:s26+$0x10];
	_ =	sdelay $0x1  }
0x21: {  	v0 =	vld.idx.msk [tilespmem:v0+s17+$0x0], $0xffff;
	_ =	sdelay $0x4  }
0x22: {  	[tilespmem:s26+$0x1C700] =	vst v0;
	v0 =	vld [tilespmem:s26+$0x20]  }
0x23: {  	v1 =	vld.idx.msk [tilespmem:v1+s17+$0x0], $0xffff;
	_ =	sdelay $0x4  }
0x24: {  	[tilespmem:s26+$0x1C710] =	vst v1;
	v1 =	vld [tilespmem:s26+$0x30];
	_ =	sdelay $0x1  }
0x25: {  	v0 =	vld.idx.msk [tilespmem:v0+s17+$0x0], $0xffff;
	_ =	sdelay $0x4  }
0x26: {  	[tilespmem:s26+$0x1C720] =	vst v0;
	v0 =	vld [tilespmem:s26+$0x40]  }
0x27: {  	v1 =	vld.idx.msk [tilespmem:v1+s17+$0x0], $0xffff;
	_ =	sdelay $0x4  }
0x28: {  	[tilespmem:s26+$0x1C730] =	vst v1;
	v1 =	vld [tilespmem:s26+$0x50];
	_ =	sdelay $0x1  }
0x29: {  	v0 =	vld.idx.msk [tilespmem:v0+s17+$0x0], $0xffff;
	_ =	sdelay $0x4  }
0x2a: {  	[tilespmem:s26+$0x1C740] =	vst v0;
	v0 =	vld [tilespmem:s26+$0x60]  }
0x2b: {  	v1 =	vld.idx.msk [tilespmem:v1+s17+$0x0], $0xffff;
	_ =	sdelay $0x4  }
0x2c: {  	[tilespmem:s26+$0x1C750] =	vst v1;
	v1 =	vld [tilespmem:s26+$0x70];
	_ =	sdelay $0x1  }
0x2d: {  	v0 =	vld.idx.msk [tilespmem:v0+s17+$0x0], $0xffff;
	_ =	sdelay $0x4  }
0x2e: {  	[tilespmem:s26+$0x1C760] =	vst v0;
	v0 =	vld [tilespmem:s26+$0x80]  }
0x2f: {  	v1 =	vld.idx.msk [tilespmem:v1+s17+$0x0], $0xffff;
	_ =	sdelay $0x4  }
0x30: {  	[tilespmem:s26+$0x1C770] =	vst v1;
	v1 =	vld [tilespmem:s26+$0x90];
	_ =	sdelay $0x1  }
0x31: {  	v0 =	vld.idx.msk [tilespmem:v0+s17+$0x0], $0xffff;
	_ =	sdelay $0x4  }
0x32: {  	[tilespmem:s26+$0x1C780] =	vst v0;
	v0 =	vld [tilespmem:s26+$0xA0]  }
0x33: {  	v1 =	vld.idx.msk [tilespmem:v1+s17+$0x0], $0xffff;
	_ =	sdelay $0x4  }
0x34: {  	[tilespmem:s26+$0x1C790] =	vst v1;
	v1 =	vld [tilespmem:s26+$0xB0];
	_ =	sdelay $0x1  }
0x35: {  	v0 =	vld.idx.msk [tilespmem:v0+s17+$0x0], $0xffff;
	_ =	sdelay $0x4  }
0x36: {  	[tilespmem:s26+$0x1C7A0] =	vst v0;
	v0 =	vld [tilespmem:s26+$0xC0]  }
0x37: {  	v1 =	vld.idx.msk [tilespmem:v1+s17+$0x0], $0xffff;
	_ =	sdelay $0x4  }
0x38: {  	[tilespmem:s26+$0x1C7B0] =	vst v1;
	v1 =	vld [tilespmem:s26+$0xD0];
	_ =	sdelay $0x1  }
0x39: {  	v0 =	vld.idx.msk [tilespmem:v0+s17+$0x0], $0xffff;
	_ =	sdelay $0x4  }
0x3a: {  	v2 =	vld [tilespmem:s26+$0xE0];
	[tilespmem:s26+$0x1C7C0] =	vst v0  }
0x3b: {  	v0 =	vld.idx.msk [tilespmem:v1+s17+$0x0], $0xffff;
	_ =	sdelay $0x4  }
0x3c: {  	[tilespmem:s26+$0x1C7D0] =	vst v0;
	v0 =	vld [tilespmem:s26+$0xF0];
	_ =	sdelay $0x1  }
0x3d: {  	v1 =	vld.idx.msk [tilespmem:v2+s17+$0x0], $0xffff;
	_ =	sdelay $0x3  }
0x3e: {  	s29 =	simm.s32 $0x100;
	s28 =	simm.s32 $0x800  }
.LBB2_3:
0x3f: {  	p1 =	sne.s32 s28, $0x3C00;
	v2 =	vld [tilespmem:s29+$0x0];
	[tilespmem:s26+$0x1C7E0] =	vst v1  }
0x40: {  	v0 =	vld.idx.msk [tilespmem:v0+s17+$0x0], $0xffff;
	_ =	sdelay $0x5  }
0x41: {  	v1 =	vld [tilespmem:s29+$0x10];
	[tilespmem:s26+$0x1C7F0] =	vst v0;
	s26 =	smov.u32 s29  }
0x42: {  	v0 =	vld.idx.msk [tilespmem:v2+s17+$0x0], $0xffff;
	_ =	sdelay $0x5  }
0x43: {  	[tilespmem:s26+$0x1C700] =	vst v0;
	v0 =	vld [tilespmem:s26+$0x20]  }
0x44: {  	v1 =	vld.idx.msk [tilespmem:v1+s17+$0x0], $0xffff;
	_ =	sdelay $0x5  }
0x45: {  	[tilespmem:s26+$0x1C710] =	vst v1;
	v1 =	vld [tilespmem:s26+$0x30]  }
0x46: {  	v0 =	vld.idx.msk [tilespmem:v0+s17+$0x0], $0xffff;
	_ =	sdelay $0x5  }
0x47: {  	[tilespmem:s26+$0x1C720] =	vst v0;
	v0 =	vld [tilespmem:s26+$0x40]  }
0x48: {  	v1 =	vld.idx.msk [tilespmem:v1+s17+$0x0], $0xffff;
	_ =	sdelay $0x5  }
0x49: {  	[tilespmem:s26+$0x1C730] =	vst v1;
	v1 =	vld [tilespmem:s26+$0x50]  }
0x4a: {  	v0 =	vld.idx.msk [tilespmem:v0+s17+$0x0], $0xffff;
	_ =	sdelay $0x5  }
0x4b: {  	[tilespmem:s26+$0x1C740] =	vst v0;
	v0 =	vld [tilespmem:s26+$0x60]  }
0x4c: {  	v1 =	vld.idx.msk [tilespmem:v1+s17+$0x0], $0xffff;
	_ =	sdelay $0x5  }
0x4d: {  	[tilespmem:s26+$0x1C750] =	vst v1;
	v1 =	vld [tilespmem:s26+$0x70]  }
0x4e: {  	v0 =	vld.idx.msk [tilespmem:v0+s17+$0x0], $0xffff;
	_ =	sdelay $0x5  }
0x4f: {  	[tilespmem:s26+$0x1C760] =	vst v0;
	v0 =	vld [tilespmem:s26+$0x80]  }
0x50: {  	v1 =	vld.idx.msk [tilespmem:v1+s17+$0x0], $0xffff;
	_ =	sdelay $0x5  }
0x51: {  	[tilespmem:s26+$0x1C770] =	vst v1;
	v1 =	vld [tilespmem:s26+$0x90]  }
0x52: {  	v0 =	vld.idx.msk [tilespmem:v0+s17+$0x0], $0xffff;
	_ =	sdelay $0x5  }
0x53: {  	[tilespmem:s26+$0x1C780] =	vst v0;
	v0 =	vld [tilespmem:s26+$0xA0]  }
0x54: {  	v1 =	vld.idx.msk [tilespmem:v1+s17+$0x0], $0xffff;
	_ =	sdelay $0x5  }
0x55: {  	[tilespmem:s26+$0x1C790] =	vst v1;
	v1 =	vld [tilespmem:s26+$0xB0]  }
0x56: {  	v0 =	vld.idx.msk [tilespmem:v0+s17+$0x0], $0xffff;
	_ =	sdelay $0x5  }
0x57: {  	[tilespmem:s26+$0x1C7A0] =	vst v0;
	v0 =	vld [tilespmem:s26+$0xC0]  }
0x58: {  	v1 =	vld.idx.msk [tilespmem:v1+s17+$0x0], $0xffff;
	_ =	sdelay $0x5  }
0x59: {  	[tilespmem:s26+$0x1C7B0] =	vst v1;
	v1 =	vld [tilespmem:s26+$0xD0]  }
0x5a: {  	v0 =	vld.idx.msk [tilespmem:v0+s17+$0x0], $0xffff;
	_ =	sdelay $0x5  }
0x5b: {  	[tilespmem:s26+$0x1C7C0] =	vst v0;
	v2 =	vld [tilespmem:s26+$0xE0]  }
0x5c: {  	v0 =	vld.idx.msk [tilespmem:v1+s17+$0x0], $0xffff;
	_ =	sdelay $0x5  }
0x5d: {  	[tilespmem:s26+$0x1C7D0] =	vst v0;
	v0 =	vld [tilespmem:s26+$0xF0]  }
0x5e: {  	v1 =	vld.idx.msk [tilespmem:v2+s17+$0x0], $0xffff  }
.Ltmp0:
0x5f: {  	(pc) =	sbr.rel @p1 .LBB2_3-.Ltmp0, $2  }
0x60: {  	_ =	sdelay $0x2  }
0x61: {  	s29 =	sshra.s32 s28, $0x2;
	s28 =	sadd.s32 $0x400, s28  }
0x62: {  	_ =	sdelay $0x1  }
0x63: {  	v2 =	vld [tilespmem:s29+$0x0]  }
0x64: {  	[tilespmem:s26+$0x1C7E0] =	vst v1  }
0x65: {  	v0 =	vld.idx.msk [tilespmem:v0+s17+$0x0], $0xffff;
	_ =	sdelay $0x3  }
0x66: {  	v1 =	vld [tilespmem:s29+$0x10]  }
0x67: {  	[tilespmem:s26+$0x1C7F0] =	vst v0  }
0x68: {  	v0 =	vld.idx.msk [tilespmem:v2+s17+$0x0], $0xffff;
	_ =	sdelay $0x4  }
0x69: {  	[tilespmem:s29+$0x1C700] =	vst v0;
	v0 =	vld [tilespmem:s29+$0x20]  }
0x6a: {  	v1 =	vld.idx.msk [tilespmem:v1+s17+$0x0], $0xffff;
	_ =	sdelay $0x4  }
0x6b: {  	[tilespmem:s29+$0x1C710] =	vst v1;
	v1 =	vld [tilespmem:s29+$0x30];
	_ =	sdelay $0x1  }
0x6c: {  	v0 =	vld.idx.msk [tilespmem:v0+s17+$0x0], $0xffff;
	_ =	sdelay $0x4  }
0x6d: {  	[tilespmem:s29+$0x1C720] =	vst v0;
	v0 =	vld [tilespmem:s29+$0x40]  }
0x6e: {  	v1 =	vld.idx.msk [tilespmem:v1+s17+$0x0], $0xffff;
	_ =	sdelay $0x4  }
0x6f: {  	[tilespmem:s29+$0x1C730] =	vst v1;
	v1 =	vld [tilespmem:s29+$0x50];
	_ =	sdelay $0x1  }
0x70: {  	v0 =	vld.idx.msk [tilespmem:v0+s17+$0x0], $0xffff;
	_ =	sdelay $0x4  }
0x71: {  	[tilespmem:s29+$0x1C740] =	vst v0;
	v0 =	vld [tilespmem:s29+$0x60]  }
0x72: {  	v1 =	vld.idx.msk [tilespmem:v1+s17+$0x0], $0xffff;
	_ =	sdelay $0x4  }
0x73: {  	[tilespmem:s29+$0x1C750] =	vst v1;
	v1 =	vld [tilespmem:s29+$0x70];
	_ =	sdelay $0x1  }
0x74: {  	v0 =	vld.idx.msk [tilespmem:v0+s17+$0x0], $0xffff;
	_ =	sdelay $0x4  }
0x75: {  	[tilespmem:s29+$0x1C760] =	vst v0;
	v0 =	vld [tilespmem:s29+$0x80]  }
0x76: {  	v1 =	vld.idx.msk [tilespmem:v1+s17+$0x0], $0xffff;
	_ =	sdelay $0x4  }
0x77: {  	[tilespmem:s29+$0x1C770] =	vst v1;
	v1 =	vld [tilespmem:s29+$0x90];
	_ =	sdelay $0x1  }
0x78: {  	v0 =	vld.idx.msk [tilespmem:v0+s17+$0x0], $0xffff;
	_ =	sdelay $0x4  }
0x79: {  	[tilespmem:s29+$0x1C780] =	vst v0;
	v0 =	vld [tilespmem:s29+$0xA0]  }
0x7a: {  	v1 =	vld.idx.msk [tilespmem:v1+s17+$0x0], $0xffff;
	_ =	sdelay $0x4  }
0x7b: {  	[tilespmem:s29+$0x1C790] =	vst v1;
	v1 =	vld [tilespmem:s29+$0xB0];
	_ =	sdelay $0x1  }
0x7c: {  	v0 =	vld.idx.msk [tilespmem:v0+s17+$0x0], $0xffff;
	_ =	sdelay $0x4  }
0x7d: {  	[tilespmem:s29+$0x1C7A0] =	vst v0;
	v0 =	vld [tilespmem:s29+$0xC0]  }
0x7e: {  	v1 =	vld.idx.msk [tilespmem:v1+s17+$0x0], $0xffff;
	_ =	sdelay $0x4  }
0x7f: {  	[tilespmem:s29+$0x1C7B0] =	vst v1;
	v1 =	vld [tilespmem:s29+$0xD0];
	_ =	sdelay $0x1  }
0x80: {  	v0 =	vld.idx.msk [tilespmem:v0+s17+$0x0], $0xffff;
	_ =	sdelay $0x4  }
0x81: {  	[tilespmem:s29+$0x1C7C0] =	vst v0;
	v0 =	vld [tilespmem:s29+$0xE0]  }
0x82: {  	v1 =	vld.idx.msk [tilespmem:v1+s17+$0x0], $0xffff;
	_ =	sdelay $0x4  }
0x83: {  	[tilespmem:s29+$0x1C7D0] =	vst v1;
	v1 =	vld [tilespmem:s29+$0xF0];
	_ =	sdelay $0x1  }
0x84: {  	v0 =	vld.idx.msk [tilespmem:v0+s17+$0x0], $0xffff;
	_ =	sdelay $0x4  }
0x85: {  	[tilespmem:s29+$0x1C7E0] =	vst v0  }
0x86: {  	v0 =	vld.idx.msk [tilespmem:v1+s17+$0x0], $0xffff  }
0x87: {  	s25 =	sshll.u32 s25, $0x12  }
0x88: {  	s25 =	sor.u32 s25, s9  }
0x89: {  	s25 =	sor.u32 s6, s25  }
0x8a: {  	s25 =	sshrl.u32 s25, $0x3  }
0x8b: {  	s31 =	sadd.s32 s4, s25;
	s26 =	simm.s32 @!p0 $0x3;
	[tilespmem:s29+$0x1C7F0] =	vst v0  }
0x8c: {  	[hbm4b:s31+s15] =	stream.strided.scatter [tilespmem:s19], [sflag:$0x2], $0x1000, s16, s15, $0x38;
	[tilespmem:$0x1E700] =	vst v63  }
0x8d: {  	_ =	swait.ge @!p0 [sflag:s26], $0x1000  }
0x8e: {  	[sflag:s26] =	ssyncset.done @!p0 $0x0  }
0x8f: {  	[sflag:s26] =	ssyncadd.s32 @!p0 $0xFFFFF000;
	s26 =	simm.s32 $0x0  }
0x90: {  	v0 =	vld [tilespmem:s26+$0x1000];
	_ =	sdelay $0x5  }
0x91: {  	v1 =	vld [tilespmem:s26+$0x1010];
	_ =	sdelay $0x1  }
0x92: {  	v0 =	vld.idx.msk [tilespmem:v0+s17+$0x0], $0xffff;
	_ =	sdelay $0x4  }
0x93: {  	[tilespmem:s26+$0x1D700] =	vst v0;
	v0 =	vld [tilespmem:s26+$0x1020]  }
0x94: {  	v1 =	vld.idx.msk [tilespmem:v1+s17+$0x0], $0xffff;
	_ =	sdelay $0x4  }
0x95: {  	[tilespmem:s26+$0x1D710] =	vst v1;
	v1 =	vld [tilespmem:s26+$0x1030];
	_ =	sdelay $0x1  }
0x96: {  	v0 =	vld.idx.msk [tilespmem:v0+s17+$0x0], $0xffff;
	_ =	sdelay $0x4  }
0x97: {  	[tilespmem:s26+$0x1D720] =	vst v0;
	v0 =	vld [tilespmem:s26+$0x1040]  }
0x98: {  	v1 =	vld.idx.msk [tilespmem:v1+s17+$0x0], $0xffff;
	_ =	sdelay $0x4  }
0x99: {  	[tilespmem:s26+$0x1D730] =	vst v1;
	v1 =	vld [tilespmem:s26+$0x1050];
	_ =	sdelay $0x1  }
0x9a: {  	v0 =	vld.idx.msk [tilespmem:v0+s17+$0x0], $0xffff;
	_ =	sdelay $0x4  }
0x9b: {  	[tilespmem:s26+$0x1D740] =	vst v0;
	v0 =	vld [tilespmem:s26+$0x1060]  }
0x9c: {  	v1 =	vld.idx.msk [tilespmem:v1+s17+$0x0], $0xffff;
	_ =	sdelay $0x4  }
0x9d: {  	[tilespmem:s26+$0x1D750] =	vst v1;
	v1 =	vld [tilespmem:s26+$0x1070];
	_ =	sdelay $0x1  }
0x9e: {  	v0 =	vld.idx.msk [tilespmem:v0+s17+$0x0], $0xffff;
	_ =	sdelay $0x4  }
0x9f: {  	[tilespmem:s26+$0x1D760] =	vst v0;
	v0 =	vld [tilespmem:s26+$0x1080]  }
0xa0: {  	v1 =	vld.idx.msk [tilespmem:v1+s17+$0x0], $0xffff;
	_ =	sdelay $0x4  }
0xa1: {  	[tilespmem:s26+$0x1D770] =	vst v1;
	v1 =	vld [tilespmem:s26+$0x1090];
	_ =	sdelay $0x1  }
0xa2: {  	v0 =	vld.idx.msk [tilespmem:v0+s17+$0x0], $0xffff;
	_ =	sdelay $0x4  }
0xa3: {  	[tilespmem:s26+$0x1D780] =	vst v0;
	v0 =	vld [tilespmem:s26+$0x10A0]  }
0xa4: {  	v1 =	vld.idx.msk [tilespmem:v1+s17+$0x0], $0xffff;
	_ =	sdelay $0x4  }
0xa5: {  	[tilespmem:s26+$0x1D790] =	vst v1;
	v1 =	vld [tilespmem:s26+$0x10B0];
	_ =	sdelay $0x1  }
0xa6: {  	v0 =	vld.idx.msk [tilespmem:v0+s17+$0x0], $0xffff;
	_ =	sdelay $0x4  }
0xa7: {  	[tilespmem:s26+$0x1D7A0] =	vst v0;
	v0 =	vld [tilespmem:s26+$0x10C0]  }
0xa8: {  	v1 =	vld.idx.msk [tilespmem:v1+s17+$0x0], $0xffff;
	_ =	sdelay $0x4  }
0xa9: {  	[tilespmem:s26+$0x1D7B0] =	vst v1;
	v1 =	vld [tilespmem:s26+$0x10D0];
	_ =	sdelay $0x1  }
0xaa: {  	v0 =	vld.idx.msk [tilespmem:v0+s17+$0x0], $0xffff;
	_ =	sdelay $0x4  }
0xab: {  	v2 =	vld [tilespmem:s26+$0x10E0];
	[tilespmem:s26+$0x1D7C0] =	vst v0  }
0xac: {  	v0 =	vld.idx.msk [tilespmem:v1+s17+$0x0], $0xffff;
	_ =	sdelay $0x4  }
0xad: {  	[tilespmem:s26+$0x1D7D0] =	vst v0;
	v0 =	vld [tilespmem:s26+$0x10F0];
	_ =	sdelay $0x1  }
0xae: {  	v1 =	vld.idx.msk [tilespmem:v2+s17+$0x0], $0xffff;
	_ =	sdelay $0x3  }
0xaf: {  	s28 =	simm.s32 $0x800;
	s29 =	simm.s32 $0x100  }
.LBB2_5:
0xb0: {  	p0 =	sne.s32 s28, $0x3C00;
	v2 =	vld [tilespmem:s29+$0x1000];
	[tilespmem:s26+$0x1D7E0] =	vst v1  }
0xb1: {  	v0 =	vld.idx.msk [tilespmem:v0+s17+$0x0], $0xffff;
	_ =	sdelay $0x5  }
0xb2: {  	v1 =	vld [tilespmem:s29+$0x1010];
	[tilespmem:s26+$0x1D7F0] =	vst v0;
	s26 =	smov.u32 s29  }
0xb3: {  	v0 =	vld.idx.msk [tilespmem:v2+s17+$0x0], $0xffff;
	_ =	sdelay $0x5  }
0xb4: {  	[tilespmem:s26+$0x1D700] =	vst v0;
	v0 =	vld [tilespmem:s26+$0x1020]  }
0xb5: {  	v1 =	vld.idx.msk [tilespmem:v1+s17+$0x0], $0xffff;
	_ =	sdelay $0x5  }
0xb6: {  	[tilespmem:s26+$0x1D710] =	vst v1;
	v1 =	vld [tilespmem:s26+$0x1030]  }
0xb7: {  	v0 =	vld.idx.msk [tilespmem:v0+s17+$0x0], $0xffff;
	_ =	sdelay $0x5  }
0xb8: {  	[tilespmem:s26+$0x1D720] =	vst v0;
	v0 =	vld [tilespmem:s26+$0x1040]  }
0xb9: {  	v1 =	vld.idx.msk [tilespmem:v1+s17+$0x0], $0xffff;
	_ =	sdelay $0x5  }
0xba: {  	[tilespmem:s26+$0x1D730] =	vst v1;
	v1 =	vld [tilespmem:s26+$0x1050]  }
0xbb: {  	v0 =	vld.idx.msk [tilespmem:v0+s17+$0x0], $0xffff;
	_ =	sdelay $0x5  }
0xbc: {  	[tilespmem:s26+$0x1D740] =	vst v0;
	v0 =	vld [tilespmem:s26+$0x1060]  }
0xbd: {  	v1 =	vld.idx.msk [tilespmem:v1+s17+$0x0], $0xffff;
	_ =	sdelay $0x5  }
0xbe: {  	[tilespmem:s26+$0x1D750] =	vst v1;
	v1 =	vld [tilespmem:s26+$0x1070]  }
0xbf: {  	v0 =	vld.idx.msk [tilespmem:v0+s17+$0x0], $0xffff;
	_ =	sdelay $0x5  }
0xc0: {  	[tilespmem:s26+$0x1D760] =	vst v0;
	v0 =	vld [tilespmem:s26+$0x1080]  }
0xc1: {  	v1 =	vld.idx.msk [tilespmem:v1+s17+$0x0], $0xffff;
	_ =	sdelay $0x5  }
0xc2: {  	[tilespmem:s26+$0x1D770] =	vst v1;
	v1 =	vld [tilespmem:s26+$0x1090]  }
0xc3: {  	v0 =	vld.idx.msk [tilespmem:v0+s17+$0x0], $0xffff;
	_ =	sdelay $0x5  }
0xc4: {  	[tilespmem:s26+$0x1D780] =	vst v0;
	v0 =	vld [tilespmem:s26+$0x10A0]  }
0xc5: {  	v1 =	vld.idx.msk [tilespmem:v1+s17+$0x0], $0xffff;
	_ =	sdelay $0x5  }
0xc6: {  	[tilespmem:s26+$0x1D790] =	vst v1;
	v1 =	vld [tilespmem:s26+$0x10B0]  }
0xc7: {  	v0 =	vld.idx.msk [tilespmem:v0+s17+$0x0], $0xffff;
	_ =	sdelay $0x5  }
0xc8: {  	[tilespmem:s26+$0x1D7A0] =	vst v0;
	v0 =	vld [tilespmem:s26+$0x10C0]  }
0xc9: {  	v1 =	vld.idx.msk [tilespmem:v1+s17+$0x0], $0xffff;
	_ =	sdelay $0x5  }
0xca: {  	[tilespmem:s26+$0x1D7B0] =	vst v1;
	v1 =	vld [tilespmem:s26+$0x10D0]  }
0xcb: {  	v0 =	vld.idx.msk [tilespmem:v0+s17+$0x0], $0xffff;
	_ =	sdelay $0x5  }
0xcc: {  	[tilespmem:s26+$0x1D7C0] =	vst v0;
	v2 =	vld [tilespmem:s26+$0x10E0]  }
0xcd: {  	v0 =	vld.idx.msk [tilespmem:v1+s17+$0x0], $0xffff;
	_ =	sdelay $0x5  }
0xce: {  	[tilespmem:s26+$0x1D7D0] =	vst v0;
	v0 =	vld [tilespmem:s26+$0x10F0]  }
0xcf: {  	v1 =	vld.idx.msk [tilespmem:v2+s17+$0x0], $0xffff  }
.Ltmp1:
0xd0: {  	(pc) =	sbr.rel @p0 .LBB2_5-.Ltmp1, $2  }
0xd1: {  	_ =	sdelay $0x2  }
0xd2: {  	s29 =	sshra.s32 s28, $0x2;
	s28 =	sadd.s32 $0x400, s28  }
0xd3: {  	_ =	sdelay $0x1  }
0xd4: {  	v2 =	vld [tilespmem:s29+$0x1000]  }
0xd5: {  	[tilespmem:s26+$0x1D7E0] =	vst v1  }
0xd6: {  	v0 =	vld.idx.msk [tilespmem:v0+s17+$0x0], $0xffff;
	_ =	sdelay $0x3  }
0xd7: {  	v1 =	vld [tilespmem:s29+$0x1010]  }
0xd8: {  	[tilespmem:s26+$0x1D7F0] =	vst v0  }
0xd9: {  	v0 =	vld.idx.msk [tilespmem:v2+s17+$0x0], $0xffff;
	_ =	sdelay $0x4  }
0xda: {  	[tilespmem:s29+$0x1D700] =	vst v0;
	v0 =	vld [tilespmem:s29+$0x1020]  }
0xdb: {  	v1 =	vld.idx.msk [tilespmem:v1+s17+$0x0], $0xffff;
	_ =	sdelay $0x4  }
0xdc: {  	[tilespmem:s29+$0x1D710] =	vst v1;
	v1 =	vld [tilespmem:s29+$0x1030];
	_ =	sdelay $0x1  }
0xdd: {  	v0 =	vld.idx.msk [tilespmem:v0+s17+$0x0], $0xffff;
	_ =	sdelay $0x4  }
0xde: {  	[tilespmem:s29+$0x1D720] =	vst v0;
	v0 =	vld [tilespmem:s29+$0x1040]  }
0xdf: {  	v1 =	vld.idx.msk [tilespmem:v1+s17+$0x0], $0xffff;
	_ =	sdelay $0x4  }
0xe0: {  	[tilespmem:s29+$0x1D730] =	vst v1;
	v1 =	vld [tilespmem:s29+$0x1050];
	_ =	sdelay $0x1  }
0xe1: {  	v0 =	vld.idx.msk [tilespmem:v0+s17+$0x0], $0xffff;
	_ =	sdelay $0x4  }
0xe2: {  	[tilespmem:s29+$0x1D740] =	vst v0;
	v0 =	vld [tilespmem:s29+$0x1060]  }
0xe3: {  	v1 =	vld.idx.msk [tilespmem:v1+s17+$0x0], $0xffff;
	_ =	sdelay $0x4  }
0xe4: {  	[tilespmem:s29+$0x1D750] =	vst v1;
	v1 =	vld [tilespmem:s29+$0x1070];
	_ =	sdelay $0x1  }
0xe5: {  	v0 =	vld.idx.msk [tilespmem:v0+s17+$0x0], $0xffff;
	_ =	sdelay $0x4  }
0xe6: {  	[tilespmem:s29+$0x1D760] =	vst v0;
	v0 =	vld [tilespmem:s29+$0x1080]  }
0xe7: {  	v1 =	vld.idx.msk [tilespmem:v1+s17+$0x0], $0xffff;
	_ =	sdelay $0x4  }
0xe8: {  	[tilespmem:s29+$0x1D770] =	vst v1;
	v1 =	vld [tilespmem:s29+$0x1090];
	_ =	sdelay $0x1  }
0xe9: {  	v0 =	vld.idx.msk [tilespmem:v0+s17+$0x0], $0xffff;
	_ =	sdelay $0x4  }
0xea: {  	[tilespmem:s29+$0x1D780] =	vst v0;
	v0 =	vld [tilespmem:s29+$0x10A0]  }
0xeb: {  	v1 =	vld.idx.msk [tilespmem:v1+s17+$0x0], $0xffff;
	_ =	sdelay $0x4  }
0xec: {  	[tilespmem:s29+$0x1D790] =	vst v1;
	v1 =	vld [tilespmem:s29+$0x10B0];
	_ =	sdelay $0x1  }
0xed: {  	v0 =	vld.idx.msk [tilespmem:v0+s17+$0x0], $0xffff;
	_ =	sdelay $0x4  }
0xee: {  	[tilespmem:s29+$0x1D7A0] =	vst v0;
	v0 =	vld [tilespmem:s29+$0x10C0]  }
0xef: {  	v1 =	vld.idx.msk [tilespmem:v1+s17+$0x0], $0xffff;
	_ =	sdelay $0x4  }
0xf0: {  	[tilespmem:s29+$0x1D7B0] =	vst v1;
	v1 =	vld [tilespmem:s29+$0x10D0];
	_ =	sdelay $0x1  }
0xf1: {  	v0 =	vld.idx.msk [tilespmem:v0+s17+$0x0], $0xffff;
	_ =	sdelay $0x4  }
0xf2: {  	[tilespmem:s29+$0x1D7C0] =	vst v0;
	v0 =	vld [tilespmem:s29+$0x10E0]  }
0xf3: {  	v1 =	vld.idx.msk [tilespmem:v1+s17+$0x0], $0xffff;
	_ =	sdelay $0x4  }
0xf4: {  	[tilespmem:s29+$0x1D7D0] =	vst v1;
	v1 =	vld [tilespmem:s29+$0x10F0];
	_ =	sdelay $0x1  }
0xf5: {  	v0 =	vld.idx.msk [tilespmem:v0+s17+$0x0], $0xffff;
	_ =	sdelay $0x4  }
0xf6: {  	[tilespmem:s29+$0x1D7E0] =	vst v0  }
0xf7: {  	v0 =	vld.idx.msk [tilespmem:v1+s17+$0x0], $0xffff;
	_ =	sdelay $0x4  }
0xf8: {  	s31 =	sadd.s32 s25, s10;
	[tilespmem:s29+$0x1D7F0] =	vst v0  }
0xf9: {  	[hbm4b:s31+s15] =	stream.strided.scatter [tilespmem:s20], [sflag:$0x3], $0x1000, s16, s15, $0x38;
	[tilespmem:$0x1E700] =	vst v63  }
0xfa: {  	_ =	swait.ge [sflag:s21], $0x1000  }
0xfb: {  	[sflag:s21] =	ssyncset.done $0x0  }
0xfc: {  	s28 =	simm.s32 $0x0;
	[sflag:s21] =	ssyncadd.s32 $0xFFFFF000  }
0xfd: {  	v0 =	vld [tilespmem:s28+$0x2000];
	_ =	sdelay $0x5  }
0xfe: {  	v1 =	vld [tilespmem:s28+$0x2010];
	_ =	sdelay $0x1  }
0xff: {  	v0 =	vld.idx.msk [tilespmem:v0+s17+$0x0], $0xffff;
	_ =	sdelay $0x4  }
0x100: {  	[tilespmem:s28+$0x1C700] =	vst v0;
	v0 =	vld [tilespmem:s28+$0x2020]  }
0x101: {  	v1 =	vld.idx.msk [tilespmem:v1+s17+$0x0], $0xffff;
	_ =	sdelay $0x4  }
0x102: {  	[tilespmem:s28+$0x1C710] =	vst v1;
	v1 =	vld [tilespmem:s28+$0x2030];
	_ =	sdelay $0x1  }
0x103: {  	v0 =	vld.idx.msk [tilespmem:v0+s17+$0x0], $0xffff;
	_ =	sdelay $0x4  }
0x104: {  	[tilespmem:s28+$0x1C720] =	vst v0;
	v0 =	vld [tilespmem:s28+$0x2040]  }
0x105: {  	v1 =	vld.idx.msk [tilespmem:v1+s17+$0x0], $0xffff;
	_ =	sdelay $0x4  }
0x106: {  	[tilespmem:s28+$0x1C730] =	vst v1;
	v1 =	vld [tilespmem:s28+$0x2050];
	_ =	sdelay $0x1  }
0x107: {  	v0 =	vld.idx.msk [tilespmem:v0+s17+$0x0], $0xffff;
	_ =	sdelay $0x4  }
0x108: {  	[tilespmem:s28+$0x1C740] =	vst v0;
	v0 =	vld [tilespmem:s28+$0x2060]  }
0x109: {  	v1 =	vld.idx.msk [tilespmem:v1+s17+$0x0], $0xffff;
	_ =	sdelay $0x4  }
0x10a: {  	[tilespmem:s28+$0x1C750] =	vst v1;
	v1 =	vld [tilespmem:s28+$0x2070];
	_ =	sdelay $0x1  }
0x10b: {  	v0 =	vld.idx.msk [tilespmem:v0+s17+$0x0], $0xffff;
	_ =	sdelay $0x4  }
0x10c: {  	[tilespmem:s28+$0x1C760] =	vst v0;
	v0 =	vld [tilespmem:s28+$0x2080]  }
0x10d: {  	v1 =	vld.idx.msk [tilespmem:v1+s17+$0x0], $0xffff;
	_ =	sdelay $0x4  }
0x10e: {  	[tilespmem:s28+$0x1C770] =	vst v1;
	v1 =	vld [tilespmem:s28+$0x2090];
	_ =	sdelay $0x1  }
0x10f: {  	v0 =	vld.idx.msk [tilespmem:v0+s17+$0x0], $0xffff;
	_ =	sdelay $0x4  }
0x110: {  	[tilespmem:s28+$0x1C780] =	vst v0;
	v0 =	vld [tilespmem:s28+$0x20A0]  }
0x111: {  	v1 =	vld.idx.msk [tilespmem:v1+s17+$0x0], $0xffff;
	_ =	sdelay $0x4  }
0x112: {  	[tilespmem:s28+$0x1C790] =	vst v1;
	v1 =	vld [tilespmem:s28+$0x20B0];
	_ =	sdelay $0x1  }
0x113: {  	v0 =	vld.idx.msk [tilespmem:v0+s17+$0x0], $0xffff;
	_ =	sdelay $0x4  }
0x114: {  	[tilespmem:s28+$0x1C7A0] =	vst v0;
	v0 =	vld [tilespmem:s28+$0x20C0]  }
0x115: {  	v1 =	vld.idx.msk [tilespmem:v1+s17+$0x0], $0xffff;
	_ =	sdelay $0x4  }
0x116: {  	[tilespmem:s28+$0x1C7B0] =	vst v1;
	v1 =	vld [tilespmem:s28+$0x20D0];
	_ =	sdelay $0x1  }
0x117: {  	v0 =	vld.idx.msk [tilespmem:v0+s17+$0x0], $0xffff;
	_ =	sdelay $0x4  }
0x118: {  	v2 =	vld [tilespmem:s28+$0x20E0];
	[tilespmem:s28+$0x1C7C0] =	vst v0  }
0x119: {  	v0 =	vld.idx.msk [tilespmem:v1+s17+$0x0], $0xffff;
	_ =	sdelay $0x4  }
0x11a: {  	[tilespmem:s28+$0x1C7D0] =	vst v0;
	v0 =	vld [tilespmem:s28+$0x20F0];
	_ =	sdelay $0x1  }
0x11b: {  	v1 =	vld.idx.msk [tilespmem:v2+s17+$0x0], $0xffff;
	_ =	sdelay $0x3  }
0x11c: {  	s30 =	simm.s32 $0x100;
	s26 =	sadd.s32 s25, s11;
	s29 =	simm.s32 $0x800  }
.LBB2_7:
0x11d: {  	p0 =	sne.s32 s29, $0x3C00;
	v2 =	vld [tilespmem:s30+$0x2000];
	[tilespmem:s28+$0x1C7E0] =	vst v1  }
0x11e: {  	v0 =	vld.idx.msk [tilespmem:v0+s17+$0x0], $0xffff;
	_ =	sdelay $0x5  }
0x11f: {  	v1 =	vld [tilespmem:s30+$0x2010];
	[tilespmem:s28+$0x1C7F0] =	vst v0;
	s28 =	smov.u32 s30  }
0x120: {  	v0 =	vld.idx.msk [tilespmem:v2+s17+$0x0], $0xffff;
	_ =	sdelay $0x5  }
0x121: {  	[tilespmem:s28+$0x1C700] =	vst v0;
	v0 =	vld [tilespmem:s28+$0x2020]  }
0x122: {  	v1 =	vld.idx.msk [tilespmem:v1+s17+$0x0], $0xffff;
	_ =	sdelay $0x5  }
0x123: {  	[tilespmem:s28+$0x1C710] =	vst v1;
	v1 =	vld [tilespmem:s28+$0x2030]  }
0x124: {  	v0 =	vld.idx.msk [tilespmem:v0+s17+$0x0], $0xffff;
	_ =	sdelay $0x5  }
0x125: {  	[tilespmem:s28+$0x1C720] =	vst v0;
	v0 =	vld [tilespmem:s28+$0x2040]  }
0x126: {  	v1 =	vld.idx.msk [tilespmem:v1+s17+$0x0], $0xffff;
	_ =	sdelay $0x5  }
0x127: {  	[tilespmem:s28+$0x1C730] =	vst v1;
	v1 =	vld [tilespmem:s28+$0x2050]  }
0x128: {  	v0 =	vld.idx.msk [tilespmem:v0+s17+$0x0], $0xffff;
	_ =	sdelay $0x5  }
0x129: {  	[tilespmem:s28+$0x1C740] =	vst v0;
	v0 =	vld [tilespmem:s28+$0x2060]  }
0x12a: {  	v1 =	vld.idx.msk [tilespmem:v1+s17+$0x0], $0xffff;
	_ =	sdelay $0x5  }
0x12b: {  	[tilespmem:s28+$0x1C750] =	vst v1;
	v1 =	vld [tilespmem:s28+$0x2070]  }
0x12c: {  	v0 =	vld.idx.msk [tilespmem:v0+s17+$0x0], $0xffff;
	_ =	sdelay $0x5  }
0x12d: {  	[tilespmem:s28+$0x1C760] =	vst v0;
	v0 =	vld [tilespmem:s28+$0x2080]  }
0x12e: {  	v1 =	vld.idx.msk [tilespmem:v1+s17+$0x0], $0xffff;
	_ =	sdelay $0x5  }
0x12f: {  	[tilespmem:s28+$0x1C770] =	vst v1;
	v1 =	vld [tilespmem:s28+$0x2090]  }
0x130: {  	v0 =	vld.idx.msk [tilespmem:v0+s17+$0x0], $0xffff;
	_ =	sdelay $0x5  }
0x131: {  	[tilespmem:s28+$0x1C780] =	vst v0;
	v0 =	vld [tilespmem:s28+$0x20A0]  }
0x132: {  	v1 =	vld.idx.msk [tilespmem:v1+s17+$0x0], $0xffff;
	_ =	sdelay $0x5  }
0x133: {  	[tilespmem:s28+$0x1C790] =	vst v1;
	v1 =	vld [tilespmem:s28+$0x20B0]  }
0x134: {  	v0 =	vld.idx.msk [tilespmem:v0+s17+$0x0], $0xffff;
	_ =	sdelay $0x5  }
0x135: {  	[tilespmem:s28+$0x1C7A0] =	vst v0;
	v0 =	vld [tilespmem:s28+$0x20C0]  }
0x136: {  	v1 =	vld.idx.msk [tilespmem:v1+s17+$0x0], $0xffff;
	_ =	sdelay $0x5  }
0x137: {  	[tilespmem:s28+$0x1C7B0] =	vst v1;
	v1 =	vld [tilespmem:s28+$0x20D0]  }
0x138: {  	v0 =	vld.idx.msk [tilespmem:v0+s17+$0x0], $0xffff;
	_ =	sdelay $0x5  }
0x139: {  	[tilespmem:s28+$0x1C7C0] =	vst v0;
	v2 =	vld [tilespmem:s28+$0x20E0]  }
0x13a: {  	v0 =	vld.idx.msk [tilespmem:v1+s17+$0x0], $0xffff;
	_ =	sdelay $0x5  }
0x13b: {  	[tilespmem:s28+$0x1C7D0] =	vst v0;
	v0 =	vld [tilespmem:s28+$0x20F0]  }
0x13c: {  	v1 =	vld.idx.msk [tilespmem:v2+s17+$0x0], $0xffff  }
.Ltmp2:
0x13d: {  	(pc) =	sbr.rel @p0 .LBB2_7-.Ltmp2, $2  }
0x13e: {  	_ =	sdelay $0x2  }
0x13f: {  	s30 =	sshra.s32 s29, $0x2;
	s29 =	sadd.s32 $0x400, s29  }
0x140: {  	_ =	sdelay $0x1  }
0x141: {  	v2 =	vld [tilespmem:s30+$0x2000]  }
0x142: {  	[tilespmem:s28+$0x1C7E0] =	vst v1  }
0x143: {  	v0 =	vld.idx.msk [tilespmem:v0+s17+$0x0], $0xffff;
	_ =	sdelay $0x3  }
0x144: {  	v1 =	vld [tilespmem:s30+$0x2010]  }
0x145: {  	[tilespmem:s28+$0x1C7F0] =	vst v0  }
0x146: {  	v0 =	vld.idx.msk [tilespmem:v2+s17+$0x0], $0xffff;
	_ =	sdelay $0x4  }
0x147: {  	[tilespmem:s30+$0x1C700] =	vst v0;
	v0 =	vld [tilespmem:s30+$0x2020]  }
0x148: {  	v1 =	vld.idx.msk [tilespmem:v1+s17+$0x0], $0xffff;
	_ =	sdelay $0x4  }
0x149: {  	[tilespmem:s30+$0x1C710] =	vst v1;
	v1 =	vld [tilespmem:s30+$0x2030];
	_ =	sdelay $0x1  }
0x14a: {  	v0 =	vld.idx.msk [tilespmem:v0+s17+$0x0], $0xffff;
	_ =	sdelay $0x4  }
0x14b: {  	[tilespmem:s30+$0x1C720] =	vst v0;
	v0 =	vld [tilespmem:s30+$0x2040]  }
0x14c: {  	v1 =	vld.idx.msk [tilespmem:v1+s17+$0x0], $0xffff;
	_ =	sdelay $0x4  }
0x14d: {  	[tilespmem:s30+$0x1C730] =	vst v1;
	v1 =	vld [tilespmem:s30+$0x2050];
	_ =	sdelay $0x1  }
0x14e: {  	v0 =	vld.idx.msk [tilespmem:v0+s17+$0x0], $0xffff;
	_ =	sdelay $0x4  }
0x14f: {  	[tilespmem:s30+$0x1C740] =	vst v0;
	v0 =	vld [tilespmem:s30+$0x2060]  }
0x150: {  	v1 =	vld.idx.msk [tilespmem:v1+s17+$0x0], $0xffff;
	_ =	sdelay $0x4  }
0x151: {  	[tilespmem:s30+$0x1C750] =	vst v1;
	v1 =	vld [tilespmem:s30+$0x2070];
	_ =	sdelay $0x1  }
0x152: {  	v0 =	vld.idx.msk [tilespmem:v0+s17+$0x0], $0xffff;
	_ =	sdelay $0x4  }
0x153: {  	[tilespmem:s30+$0x1C760] =	vst v0;
	v0 =	vld [tilespmem:s30+$0x2080]  }
0x154: {  	v1 =	vld.idx.msk [tilespmem:v1+s17+$0x0], $0xffff;
	_ =	sdelay $0x4  }
0x155: {  	[tilespmem:s30+$0x1C770] =	vst v1;
	v1 =	vld [tilespmem:s30+$0x2090];
	_ =	sdelay $0x1  }
0x156: {  	v0 =	vld.idx.msk [tilespmem:v0+s17+$0x0], $0xffff;
	_ =	sdelay $0x4  }
0x157: {  	[tilespmem:s30+$0x1C780] =	vst v0;
	v0 =	vld [tilespmem:s30+$0x20A0]  }
0x158: {  	v1 =	vld.idx.msk [tilespmem:v1+s17+$0x0], $0xffff;
	_ =	sdelay $0x4  }
0x159: {  	[tilespmem:s30+$0x1C790] =	vst v1;
	v1 =	vld [tilespmem:s30+$0x20B0];
	_ =	sdelay $0x1  }
0x15a: {  	v0 =	vld.idx.msk [tilespmem:v0+s17+$0x0], $0xffff;
	_ =	sdelay $0x4  }
0x15b: {  	[tilespmem:s30+$0x1C7A0] =	vst v0;
	v0 =	vld [tilespmem:s30+$0x20C0]  }
0x15c: {  	v1 =	vld.idx.msk [tilespmem:v1+s17+$0x0], $0xffff;
	_ =	sdelay $0x4  }
0x15d: {  	[tilespmem:s30+$0x1C7B0] =	vst v1;
	v1 =	vld [tilespmem:s30+$0x20D0];
	_ =	sdelay $0x1  }
0x15e: {  	v0 =	vld.idx.msk [tilespmem:v0+s17+$0x0], $0xffff;
	_ =	sdelay $0x4  }
0x15f: {  	[tilespmem:s30+$0x1C7C0] =	vst v0;
	v0 =	vld [tilespmem:s30+$0x20E0]  }
0x160: {  	v1 =	vld.idx.msk [tilespmem:v1+s17+$0x0], $0xffff;
	_ =	sdelay $0x4  }
0x161: {  	[tilespmem:s30+$0x1C7D0] =	vst v1;
	v1 =	vld [tilespmem:s30+$0x20F0];
	_ =	sdelay $0x1  }
0x162: {  	v0 =	vld.idx.msk [tilespmem:v0+s17+$0x0], $0xffff;
	_ =	sdelay $0x4  }
0x163: {  	[tilespmem:s30+$0x1C7E0] =	vst v0  }
0x164: {  	v0 =	vld.idx.msk [tilespmem:v1+s17+$0x0], $0xffff;
	_ =	sdelay $0x4  }
0x165: {  	[tilespmem:s30+$0x1C7F0] =	vst v0  }
0x166: {  	[hbm4b:s26+s15] =	stream.strided.scatter [tilespmem:s19], [sflag:$0x2], $0x1000, s16, s15, $0x38;
	[tilespmem:$0x1E700] =	vst v63  }
0x167: {  	_ =	swait.ge [sflag:s22], $0x1000  }
0x168: {  	[sflag:s22] =	ssyncset.done $0x0  }
0x169: {  	s26 =	simm.s32 $0x0;
	[sflag:s22] =	ssyncadd.s32 $0xFFFFF000  }
0x16a: {  	v0 =	vld [tilespmem:s26+$0x3000];
	_ =	sdelay $0x5  }
0x16b: {  	v1 =	vld [tilespmem:s26+$0x3010];
	_ =	sdelay $0x1  }
0x16c: {  	v0 =	vld.idx.msk [tilespmem:v0+s17+$0x0], $0xffff;
	_ =	sdelay $0x4  }
0x16d: {  	[tilespmem:s26+$0x1D700] =	vst v0;
	v0 =	vld [tilespmem:s26+$0x3020]  }
0x16e: {  	v1 =	vld.idx.msk [tilespmem:v1+s17+$0x0], $0xffff;
	_ =	sdelay $0x4  }
0x16f: {  	[tilespmem:s26+$0x1D710] =	vst v1;
	v1 =	vld [tilespmem:s26+$0x3030];
	_ =	sdelay $0x1  }
0x170: {  	v0 =	vld.idx.msk [tilespmem:v0+s17+$0x0], $0xffff;
	_ =	sdelay $0x4  }
0x171: {  	[tilespmem:s26+$0x1D720] =	vst v0;
	v0 =	vld [tilespmem:s26+$0x3040]  }
0x172: {  	v1 =	vld.idx.msk [tilespmem:v1+s17+$0x0], $0xffff;
	_ =	sdelay $0x4  }
0x173: {  	[tilespmem:s26+$0x1D730] =	vst v1;
	v1 =	vld [tilespmem:s26+$0x3050];
	_ =	sdelay $0x1  }
0x174: {  	v0 =	vld.idx.msk [tilespmem:v0+s17+$0x0], $0xffff;
	_ =	sdelay $0x4  }
0x175: {  	[tilespmem:s26+$0x1D740] =	vst v0;
	v0 =	vld [tilespmem:s26+$0x3060]  }
0x176: {  	v1 =	vld.idx.msk [tilespmem:v1+s17+$0x0], $0xffff;
	_ =	sdelay $0x4  }
0x177: {  	[tilespmem:s26+$0x1D750] =	vst v1;
	v1 =	vld [tilespmem:s26+$0x3070];
	_ =	sdelay $0x1  }
0x178: {  	v0 =	vld.idx.msk [tilespmem:v0+s17+$0x0], $0xffff;
	_ =	sdelay $0x4  }
0x179: {  	[tilespmem:s26+$0x1D760] =	vst v0;
	v0 =	vld [tilespmem:s26+$0x3080]  }
0x17a: {  	v1 =	vld.idx.msk [tilespmem:v1+s17+$0x0], $0xffff;
	_ =	sdelay $0x4  }
0x17b: {  	[tilespmem:s26+$0x1D770] =	vst v1;
	v1 =	vld [tilespmem:s26+$0x3090];
	_ =	sdelay $0x1  }
0x17c: {  	v0 =	vld.idx.msk [tilespmem:v0+s17+$0x0], $0xffff;
	_ =	sdelay $0x4  }
0x17d: {  	[tilespmem:s26+$0x1D780] =	vst v0;
	v0 =	vld [tilespmem:s26+$0x30A0]  }
0x17e: {  	v1 =	vld.idx.msk [tilespmem:v1+s17+$0x0], $0xffff;
	_ =	sdelay $0x4  }
0x17f: {  	[tilespmem:s26+$0x1D790] =	vst v1;
	v1 =	vld [tilespmem:s26+$0x30B0];
	_ =	sdelay $0x1  }
0x180: {  	v0 =	vld.idx.msk [tilespmem:v0+s17+$0x0], $0xffff;
	_ =	sdelay $0x4  }
0x181: {  	[tilespmem:s26+$0x1D7A0] =	vst v0;
	v0 =	vld [tilespmem:s26+$0x30C0]  }
0x182: {  	v1 =	vld.idx.msk [tilespmem:v1+s17+$0x0], $0xffff;
	_ =	sdelay $0x4  }
0x183: {  	[tilespmem:s26+$0x1D7B0] =	vst v1;
	v1 =	vld [tilespmem:s26+$0x30D0];
	_ =	sdelay $0x1  }
0x184: {  	v0 =	vld.idx.msk [tilespmem:v0+s17+$0x0], $0xffff;
	_ =	sdelay $0x4  }
0x185: {  	v2 =	vld [tilespmem:s26+$0x30E0];
	[tilespmem:s26+$0x1D7C0] =	vst v0  }
0x186: {  	v0 =	vld.idx.msk [tilespmem:v1+s17+$0x0], $0xffff;
	_ =	sdelay $0x4  }
0x187: {  	[tilespmem:s26+$0x1D7D0] =	vst v0;
	v0 =	vld [tilespmem:s26+$0x30F0];
	_ =	sdelay $0x1  }
0x188: {  	v1 =	vld.idx.msk [tilespmem:v2+s17+$0x0], $0xffff;
	_ =	sdelay $0x3  }
0x189: {  	s25 =	sadd.s32 s25, s12;
	s29 =	simm.s32 $0x100;
	s28 =	simm.s32 $0x800  }
.LBB2_9:
0x18a: {  	p0 =	sne.s32 s28, $0x3C00;
	v2 =	vld [tilespmem:s29+$0x3000];
	[tilespmem:s26+$0x1D7E0] =	vst v1  }
0x18b: {  	v0 =	vld.idx.msk [tilespmem:v0+s17+$0x0], $0xffff;
	_ =	sdelay $0x5  }
0x18c: {  	v1 =	vld [tilespmem:s29+$0x3010];
	[tilespmem:s26+$0x1D7F0] =	vst v0;
	s26 =	smov.u32 s29  }
0x18d: {  	v0 =	vld.idx.msk [tilespmem:v2+s17+$0x0], $0xffff;
	_ =	sdelay $0x5  }
0x18e: {  	[tilespmem:s26+$0x1D700] =	vst v0;
	v0 =	vld [tilespmem:s26+$0x3020]  }
0x18f: {  	v1 =	vld.idx.msk [tilespmem:v1+s17+$0x0], $0xffff;
	_ =	sdelay $0x5  }
0x190: {  	[tilespmem:s26+$0x1D710] =	vst v1;
	v1 =	vld [tilespmem:s26+$0x3030]  }
0x191: {  	v0 =	vld.idx.msk [tilespmem:v0+s17+$0x0], $0xffff;
	_ =	sdelay $0x5  }
0x192: {  	[tilespmem:s26+$0x1D720] =	vst v0;
	v0 =	vld [tilespmem:s26+$0x3040]  }
0x193: {  	v1 =	vld.idx.msk [tilespmem:v1+s17+$0x0], $0xffff;
	_ =	sdelay $0x5  }
0x194: {  	[tilespmem:s26+$0x1D730] =	vst v1;
	v1 =	vld [tilespmem:s26+$0x3050]  }
0x195: {  	v0 =	vld.idx.msk [tilespmem:v0+s17+$0x0], $0xffff;
	_ =	sdelay $0x5  }
0x196: {  	[tilespmem:s26+$0x1D740] =	vst v0;
	v0 =	vld [tilespmem:s26+$0x3060]  }
0x197: {  	v1 =	vld.idx.msk [tilespmem:v1+s17+$0x0], $0xffff;
	_ =	sdelay $0x5  }
0x198: {  	[tilespmem:s26+$0x1D750] =	vst v1;
	v1 =	vld [tilespmem:s26+$0x3070]  }
0x199: {  	v0 =	vld.idx.msk [tilespmem:v0+s17+$0x0], $0xffff;
	_ =	sdelay $0x5  }
0x19a: {  	[tilespmem:s26+$0x1D760] =	vst v0;
	v0 =	vld [tilespmem:s26+$0x3080]  }
0x19b: {  	v1 =	vld.idx.msk [tilespmem:v1+s17+$0x0], $0xffff;
	_ =	sdelay $0x5  }
0x19c: {  	[tilespmem:s26+$0x1D770] =	vst v1;
	v1 =	vld [tilespmem:s26+$0x3090]  }
0x19d: {  	v0 =	vld.idx.msk [tilespmem:v0+s17+$0x0], $0xffff;
	_ =	sdelay $0x5  }
0x19e: {  	[tilespmem:s26+$0x1D780] =	vst v0;
	v0 =	vld [tilespmem:s26+$0x30A0]  }
0x19f: {  	v1 =	vld.idx.msk [tilespmem:v1+s17+$0x0], $0xffff;
	_ =	sdelay $0x5  }
0x1a0: {  	[tilespmem:s26+$0x1D790] =	vst v1;
	v1 =	vld [tilespmem:s26+$0x30B0]  }
0x1a1: {  	v0 =	vld.idx.msk [tilespmem:v0+s17+$0x0], $0xffff;
	_ =	sdelay $0x5  }
0x1a2: {  	[tilespmem:s26+$0x1D7A0] =	vst v0;
	v0 =	vld [tilespmem:s26+$0x30C0]  }
0x1a3: {  	v1 =	vld.idx.msk [tilespmem:v1+s17+$0x0], $0xffff;
	_ =	sdelay $0x5  }
0x1a4: {  	[tilespmem:s26+$0x1D7B0] =	vst v1;
	v1 =	vld [tilespmem:s26+$0x30D0]  }
0x1a5: {  	v0 =	vld.idx.msk [tilespmem:v0+s17+$0x0], $0xffff;
	_ =	sdelay $0x5  }
0x1a6: {  	[tilespmem:s26+$0x1D7C0] =	vst v0;
	v2 =	vld [tilespmem:s26+$0x30E0]  }
0x1a7: {  	v0 =	vld.idx.msk [tilespmem:v1+s17+$0x0], $0xffff;
	_ =	sdelay $0x5  }
0x1a8: {  	[tilespmem:s26+$0x1D7D0] =	vst v0;
	v0 =	vld [tilespmem:s26+$0x30F0]  }
0x1a9: {  	v1 =	vld.idx.msk [tilespmem:v2+s17+$0x0], $0xffff  }
.Ltmp3:
0x1aa: {  	(pc) =	sbr.rel @p0 .LBB2_9-.Ltmp3, $2  }
0x1ab: {  	_ =	sdelay $0x2  }
0x1ac: {  	s29 =	sshra.s32 s28, $0x2;
	s28 =	sadd.s32 $0x400, s28  }
0x1ad: {  	_ =	sdelay $0x1  }
0x1ae: {  	v2 =	vld [tilespmem:s29+$0x3000]  }
0x1af: {  	[tilespmem:s26+$0x1D7E0] =	vst v1  }
0x1b0: {  	v0 =	vld.idx.msk [tilespmem:v0+s17+$0x0], $0xffff;
	_ =	sdelay $0x3  }
0x1b1: {  	v1 =	vld [tilespmem:s29+$0x3010]  }
0x1b2: {  	[tilespmem:s26+$0x1D7F0] =	vst v0  }
0x1b3: {  	v0 =	vld.idx.msk [tilespmem:v2+s17+$0x0], $0xffff;
	_ =	sdelay $0x3  }
0x1b4: {  	v50 =	vld [tilespmem:s29+$0x3020]  }
0x1b5: {  	[tilespmem:s29+$0x1D700] =	vst v0  }
0x1b6: {  	v1 =	vld.idx.msk [tilespmem:v1+s17+$0x0], $0xffff;
	_ =	sdelay $0x3  }
0x1b7: {  	v51 =	vld [tilespmem:s29+$0x3030]  }
0x1b8: {  	[tilespmem:s29+$0x1D710] =	vst v1  }
0x1b9: {  	v0 =	vld.idx.msk [tilespmem:v50+s17+$0x0], $0xffff;
	_ =	sdelay $0x3  }
0x1ba: {  	v52 =	vld [tilespmem:s29+$0x3040]  }
0x1bb: {  	[tilespmem:s29+$0x1D720] =	vst v0  }
0x1bc: {  	v1 =	vld.idx.msk [tilespmem:v51+s17+$0x0], $0xffff;
	_ =	sdelay $0x3  }
0x1bd: {  	v53 =	vld [tilespmem:s29+$0x3050]  }
0x1be: {  	[tilespmem:s29+$0x1D730] =	vst v1  }
0x1bf: {  	v0 =	vld.idx.msk [tilespmem:v52+s17+$0x0], $0xffff;
	_ =	sdelay $0x3  }
0x1c0: {  	v54 =	vld [tilespmem:s29+$0x3060]  }
0x1c1: {  	[tilespmem:s29+$0x1D740] =	vst v0  }
0x1c2: {  	v1 =	vld.idx.msk [tilespmem:v53+s17+$0x0], $0xffff;
	_ =	sdelay $0x3  }
0x1c3: {  	v55 =	vld [tilespmem:s29+$0x3070]  }
0x1c4: {  	[tilespmem:s29+$0x1D750] =	vst v1  }
0x1c5: {  	v0 =	vld.idx.msk [tilespmem:v54+s17+$0x0], $0xffff;
	_ =	sdelay $0x3  }
0x1c6: {  	v56 =	vld [tilespmem:s29+$0x3080]  }
0x1c7: {  	[tilespmem:s29+$0x1D760] =	vst v0  }
0x1c8: {  	v1 =	vld.idx.msk [tilespmem:v55+s17+$0x0], $0xffff;
	_ =	sdelay $0x3  }
0x1c9: {  	v57 =	vld [tilespmem:s29+$0x3090]  }
0x1ca: {  	[tilespmem:s29+$0x1D770] =	vst v1  }
0x1cb: {  	v0 =	vld.idx.msk [tilespmem:v56+s17+$0x0], $0xffff;
	_ =	sdelay $0x3  }
0x1cc: {  	v58 =	vld [tilespmem:s29+$0x30A0]  }
0x1cd: {  	[tilespmem:s29+$0x1D780] =	vst v0  }
0x1ce: {  	v1 =	vld.idx.msk [tilespmem:v57+s17+$0x0], $0xffff;
	_ =	sdelay $0x3  }
0x1cf: {  	v59 =	vld [tilespmem:s29+$0x30B0]  }
0x1d0: {  	[tilespmem:s29+$0x1D790] =	vst v1  }
0x1d1: {  	v0 =	vld.idx.msk [tilespmem:v58+s17+$0x0], $0xffff;
	_ =	sdelay $0x3  }
0x1d2: {  	v60 =	vld [tilespmem:s29+$0x30C0]  }
0x1d3: {  	[tilespmem:s29+$0x1D7A0] =	vst v0  }
0x1d4: {  	v1 =	vld.idx.msk [tilespmem:v59+s17+$0x0], $0xffff;
	_ =	sdelay $0x3  }
0x1d5: {  	v61 =	vld [tilespmem:s29+$0x30D0]  }
0x1d6: {  	[tilespmem:s29+$0x1D7B0] =	vst v1  }
0x1d7: {  	v0 =	vld.idx.msk [tilespmem:v60+s17+$0x0], $0xffff;
	_ =	sdelay $0x3  }
0x1d8: {  	v62 =	vld [tilespmem:s29+$0x30E0]  }
0x1d9: {  	[tilespmem:s29+$0x1D7C0] =	vst v0  }
0x1da: {  	v1 =	vld.idx.msk [tilespmem:v61+s17+$0x0], $0xffff;
	_ =	sdelay $0x3  }
0x1db: {  	v63 =	vld [tilespmem:s29+$0x30F0]  }
0x1dc: {  	[tilespmem:s29+$0x1D7D0] =	vst v1  }
0x1dd: {  	v0 =	vld.idx.msk [tilespmem:v62+s17+$0x0], $0xffff;
	_ =	sdelay $0x4  }
0x1de: {  	[tilespmem:s29+$0x1D7E0] =	vst v0  }
0x1df: {  	s24 =	sadd.s32 $0x1, s24;
	v0 =	vld.idx.msk [tilespmem:v63+s17+$0x0], $0xffff  }
0x1e0: {  	p0 =	sne.s32 s24, $0x8  }
.Ltmp4:
0x1e1: {  	_ = 	snop;
	(pc) =	sbr.rel @p0 .LBB2_2-.Ltmp4, $3  }
0x1e2: {  	_ =	sdelay $0x1  }
0x1e3: {  	[tilespmem:s29+$0x1D7F0] =	vst v0  }
0x1e4: {  	[hbm4b:s25+s15] =	stream.strided.scatter [tilespmem:s20], [sflag:$0x3], $0x1000, s16, s15, $0x38;
	[tilespmem:$0x1E700] =	vst v63  }
0x1e5: {  	s23 =	sadd.s32 $0x1, s23  }
0x1e6: {  	_ =	swait.ge [sflag:s21], $0x1000;
	p0 =	sne.s32 s23, s13  }
.Ltmp5:
0x1e7: {  	[sflag:s21] =	ssyncset.done $0x0;
	(pc) =	sbr.rel @p0 .LBB2_1-.Ltmp5, $4  }
0x1e8: {  	[sflag:s21] =	ssyncadd.s32 $0xFFFFF000  }
0x1e9: {  	_ =	swait.ge [sflag:s22], $0x1000  }
0x1ea: {  	[sflag:s22] =	ssyncset.done $0x0  }
0x1eb: {  	[sflag:s22] =	ssyncadd.s32 $0xFFFFF000  }
0x1ec: {  	_ =	sfence.sel $0x180000  }
0x1ed: {  	[bflag:$0x0] =	sbarrier.arrive $0xFFFF  }
0x1ee: {  	p0 =	sne.s32 s3, $0x0;
	_ =	strace $0x90000047  }
0x1ef: {  	s0 =	sadd.s32 @!p0 $0x100000, s0;
	[bflag:$0x2] =	sbarrier.arrive $0xFFFF  }
0x1f0: {  	[sflag:s0] =	ssyncadd.tile.s32 @!p0 $0x1;
	_ =	shalt  }
.Lfunc_end2:
_tile_overlayer_lowered:
.L_overlay_start_2:
0x1f1: {  	(tag) =	ssettag $0x2  }
0x1f2: {  	s0 =	rddreg [dreg:$0x0];
	s2 =	stileid.u32  }
0x1f3: {  	s1 =	rddreg [dreg:$0x1];
	p0 =	sne.s32 s2, $0x0  }
0x1f4: {  	s3 =	rddreg [dreg:$0x2];
	[bflag:$0x3] =	sbarrier.arrive $0xFFFF;
	s2 =	simm.s32 @!p0 $0x1C04  }
0x1f5: {  	[timem:s3], [sflag:s2] =	dma.local @!p0 [hbm:s0], s1  }
0x1f6: {  	s0 =	simm.s32 @!p0 $0x4  }
0x1f7: {  	_ =	swait.ge @!p0 [sflag:s0], s1  }
0x1f8: {  	s1 =	ssub.s32 @!p0 $0x0, s1;
	[sflag:s0] =	ssyncset.done @!p0 $0x0  }
0x1f9: {  	[sflag:s0] =	ssyncadd.s32 @!p0 s1  }
0x1fa: {  	[bflag:$0x3] =	sbarrier.arrive $0xFFFF  }
0x1fb: {  	_ =	shalt  }

</sc_bundles>
